<compile_context>
chip_gen: v7x
topology: tpu7x:2x2x1
jax: 0.10.2.dev20260603
libtpu: 0.0.44.dev20260713+nightly
codegen_flags: <defaults>
</compile_context>

<pallas_src>
import functools

import jax
import jax.numpy as jnp
from jax import lax
from jax.experimental import pallas as pl
from jax.experimental.pallas import tpu as pltpu
from jax.experimental.pallas import tpu_sc as plsc

B = 4
S = 2048
D = 768
MAX_POS = 2048
OFFSET = 2
N = B * S

NC, NS = 2, 16
NW = NC * NS
RPW = N // NW
CH = 32
NCH = RPW // CH
NBUF = 5

_mesh = plsc.VectorSubcoreMesh(core_axis_name="c", subcore_axis_name="s")


L = 16


@functools.partial(
    pl.kernel,
    mesh=_mesh,
    out_type=jax.ShapeDtypeStruct((N, D), jnp.float32),
    scratch_types=[
        pltpu.VMEM((B, RPW), jnp.int32),
    ]
    + [pltpu.VMEM((CH, D), jnp.float32) for _ in range(NBUF)]
    + [pltpu.SemaphoreType.DMA for _ in range(2 * NBUF)],
)
def _tok_kernel(ids_hbm, table_hbm, out_tok, idx_v, *bufs_and_sems):
    bufs = bufs_and_sems[:NBUF]
    gsems = bufs_and_sems[NBUF:2 * NBUF]
    ssems = bufs_and_sems[2 * NBUF:]
    wid = lax.axis_index("s") * NC + lax.axis_index("c")
    b = wid % B
    cb = wid // B
    base = b * S + cb * RPW

    pltpu.sync_copy(ids_hbm.at[:, pl.ds(cb * RPW, RPW)], idx_v)

    def gather(c):
        cps = []
        for k in range(CH // L):
            vec = idx_v[b, pl.ds(c * CH + k * L, L)]
            cp = pltpu.make_async_copy(
                table_hbm.at[vec],
                bufs[c % NBUF].at[pl.ds(k * L, L)],
                gsems[c % NBUF],
            )
            cp.start()
            cps.append(cp)
        return cps

    def store(c):
        return pltpu.make_async_copy(
            bufs[c % NBUF], out_tok.at[pl.ds(base + c * CH, CH)],
            ssems[c % NBUF])

    LA = 3
    pend = {c: gather(c) for c in range(min(LA, NCH))}
    stores = {}
    for c in range(NCH):
        for cp in pend.pop(c):
            cp.wait()
        stores[c] = store(c)
        stores[c].start()
        nxt = c + LA
        if nxt < NCH:
            old = nxt - NBUF
            if old >= 0:
                stores.pop(old).wait()
            pend[nxt] = gather(nxt)
    for c in sorted(stores):
        stores[c].wait()


def _pos_body(src_ref, out_ref, mask_ref):
    out_ref[0] = src_ref[pl.ds(OFFSET, S), :]

    @pl.when(pl.program_id(0) == 0)
    def _():
        mask_ref[...] = jnp.ones_like(mask_ref)


_pos_kernel = pl.pallas_call(
    _pos_body,
    grid=(B,),
    in_specs=[pl.BlockSpec((MAX_POS + OFFSET, D), lambda b: (0, 0))],
    out_specs=[
        pl.BlockSpec((1, S, D), lambda b: (b, 0, 0)),
        pl.BlockSpec((B, S), lambda b: (0, 0)),
    ],
    out_shape=[
        jax.ShapeDtypeStruct((B, S, D), jnp.float32),
        jax.ShapeDtypeStruct((B, S), jnp.float32),
    ],
)


def kernel(input_ids, embed_tokens, embed_positions):
    ids = input_ids.astype(jnp.int32)
    tok_flat = _tok_kernel(ids, embed_tokens)
    pos_embeds, attention_mask = _pos_kernel(embed_positions)
    inputs_embeds = tok_flat.reshape(B, S, D)
    return (inputs_embeds, attention_mask, pos_embeds)

# --- scband reference (transcript-rebuilt; emitter-appended) ---
"""Pipeline reference for scband-emb-wrapper-70781061038460 (READ-ONLY COPY).

The authoritative reference and input builder live on the scoring server;
editing this copy changes nothing except your own understanding.
"""

import jax, jax.numpy as jnp
import numpy as np

VOCAB = 100000
D_MODEL = 768
MAX_POS = 2048
OFFSET = 2
B, S = 4, 2048


def setup_inputs(seed: int = 0) -> dict:
    key = jax.random.key(seed)
    k1, k2, k3 = jax.random.split(key, 3)
    input_ids = jax.random.randint(k1, (B, S), 0, VOCAB, dtype=jnp.int64)
    embed_tokens = jax.random.normal(k2, (VOCAB, D_MODEL), dtype=jnp.float32) * 0.02
    embed_positions = jax.random.normal(k3, (MAX_POS + OFFSET, D_MODEL), dtype=jnp.float32) * 0.02
    return {"input_ids": input_ids, "embed_tokens": embed_tokens, "embed_positions": embed_positions}


def reference(input_ids, embed_tokens, embed_positions):
    # inputs_embeds = self.embed_tokens(input_ids)
    inputs_embeds = jnp.take(embed_tokens, input_ids, axis=0)
    # attention_mask = tf.ones(inputs_embeds.shape[:2], dtype=tf.float32)
    attention_mask = jnp.ones(inputs_embeds.shape[:2], dtype=jnp.float32)
    # OPT learned positional embedding: positions from cumsum of mask, offset by 2,
    # past_key_values_length = 0
    positions = jnp.cumsum(attention_mask, axis=1) * attention_mask - 1.0
    positions = positions[:, 0:]  # past_key_values_length = 0
    pos_idx = (positions + OFFSET).astype(jnp.int32)
    pos_embeds = jnp.take(embed_positions, pos_idx, axis=0)
    return (inputs_embeds, attention_mask, pos_embeds)

if __name__ == "__main__":
    import jax
    _d = setup_inputs()
    print(jax.jit(kernel)(*tuple(_d.values())))

</pallas_src>

<mosaic_0001>
#map = affine_map<(d0, d1) -> (0, 0)>
module attributes {stable_mosaic.version = 14 : i64} {
  func.func @_tok_kernel(%arg0: i32, %arg1: i32, %arg2: memref<4x2048xi32, #tpu.memory_space<hbm>>, %arg3: memref<100000x768xf32, #tpu.memory_space<hbm>>, %arg4: memref<8192x768xf32, #tpu.memory_space<hbm>>, %arg5: memref<4x256xi32, #tpu.memory_space<vmem>>, %arg6: memref<32x768xf32, #tpu.memory_space<vmem>>, %arg7: memref<32x768xf32, #tpu.memory_space<vmem>>, %arg8: memref<32x768xf32, #tpu.memory_space<vmem>>, %arg9: memref<32x768xf32, #tpu.memory_space<vmem>>, %arg10: memref<32x768xf32, #tpu.memory_space<vmem>>, %arg11: memref<!tpu.dma_semaphore, #tpu.memory_space<semaphore_mem>>, %arg12: memref<!tpu.dma_semaphore, #tpu.memory_space<semaphore_mem>>, %arg13: memref<!tpu.dma_semaphore, #tpu.memory_space<semaphore_mem>>, %arg14: memref<!tpu.dma_semaphore, #tpu.memory_space<semaphore_mem>>, %arg15: memref<!tpu.dma_semaphore, #tpu.memory_space<semaphore_mem>>, %arg16: memref<!tpu.dma_semaphore, #tpu.memory_space<semaphore_mem>>, %arg17: memref<!tpu.dma_semaphore, #tpu.memory_space<semaphore_mem>>, %arg18: memref<!tpu.dma_semaphore, #tpu.memory_space<semaphore_mem>>, %arg19: memref<!tpu.dma_semaphore, #tpu.memory_space<semaphore_mem>>, %arg20: memref<!tpu.dma_semaphore, #tpu.memory_space<semaphore_mem>>) attributes {dimension_semantics = [#tpu.dimension_semantics<core_parallel>, #tpu.dimension_semantics<subcore_parallel>], iteration_bounds = array<i64: 2, 16>, scalar_prefetch = 0 : i64, scratch_operands = 16 : i64, tpu.core_type = #tpu.core_type<sc_vector_subcore>, window_params = [{transform_indices = #map}, {transform_indices = #map}, {transform_indices = #map}]} {
    %mul3A = arith.constant 2 : i32
    %mul3A_0 = arith.muli %arg1, %mul3A : i32
    %add3A = arith.addi %mul3A_0, %arg0 : i32
    %jit3A = arith.constant 4 : i32
    %eq3A = arith.constant 0 : i32
    %eq3A_1 = arith.cmpi eq, %jit3A, %eq3A : i32
    %jit3A_2 = arith.constant 1 : i32
    %select_n3A = arith.select %eq3A_1, %jit3A_2, %jit3A : i32
    %rem3A = arith.remsi %add3A, %select_n3A : i32
    %ne3A = arith.constant 0 : i32
    %ne3A_3 = arith.cmpi ne, %rem3A, %ne3A : i32
    %lt3A = arith.constant 0 : i32
    %lt3A_4 = arith.cmpi slt, %rem3A, %lt3A : i32
    %lt3A_5 = arith.constant 0 : i32
    %lt3A_6 = arith.cmpi slt, %select_n3A, %lt3A_5 : i32
    %ne3A_7 = arith.xori %lt3A_4, %lt3A_6 : i1
    %and3A = arith.andi %ne3A_7, %ne3A_3 : i1
    %add3A_8 = arith.addi %rem3A, %select_n3A : i32
    %select_n3A_9 = arith.select %and3A, %add3A_8, %rem3A : i32
    %jit3A_10 = arith.constant 4 : i32
    %div3A = arith.divsi %add3A, %jit3A_10 : i32
    %sign3A = arith.constant 0 : i32
    %sign3A_11 = arith.cmpi sgt, %add3A, %sign3A : i32
    %sign3A_12 = arith.extui %sign3A_11 : i1 to i32
    %sign3A_13 = arith.constant 0 : i32
    %sign3A_14 = arith.cmpi slt, %add3A, %sign3A_13 : i32
    %sign3A_15 = arith.extui %sign3A_14 : i1 to i32
    %sign3A_16 = arith.subi %sign3A_12, %sign3A_15 : i32
    %sign3A_17 = arith.constant 0 : i32
    %sign3A_18 = arith.cmpi sgt, %jit3A_10, %sign3A_17 : i32
    %sign3A_19 = arith.extui %sign3A_18 : i1 to i32
    %sign3A_20 = arith.constant 0 : i32
    %sign3A_21 = arith.cmpi slt, %jit3A_10, %sign3A_20 : i32
    %sign3A_22 = arith.extui %sign3A_21 : i1 to i32
    %sign3A_23 = arith.subi %sign3A_19, %sign3A_22 : i32
    %ne3A_24 = arith.cmpi ne, %sign3A_16, %sign3A_23 : i32
    %rem3A_25 = arith.remsi %add3A, %jit3A_10 : i32
    %ne3A_26 = arith.constant 0 : i32
    %ne3A_27 = arith.cmpi ne, %rem3A_25, %ne3A_26 : i32
    %and3A_28 = arith.andi %ne3A_24, %ne3A_27 : i1
    %sub3A = arith.constant 1 : i32
    %sub3A_29 = arith.subi %div3A, %sub3A : i32
    %select_n3A_30 = arith.select %and3A_28, %sub3A_29, %div3A : i32
    %mul3A_31 = arith.constant 2048 : i32
    %mul3A_32 = arith.muli %select_n3A_9, %mul3A_31 : i32
    %mul3A_33 = arith.constant 256 : i32
    %mul3A_34 = arith.muli %select_n3A_30, %mul3A_33 : i32
    %add3A_35 = arith.addi %mul3A_32, %mul3A_34 : i32
    %mul3A_36 = arith.constant 256 : i32
    %mul3A_37 = arith.muli %select_n3A_30, %mul3A_36 : i32
    "tpu.region"() ({
      %run_scoped3A = tpu.sem_alloc : memref<!tpu.dma_semaphore, #tpu.memory_space<semaphore_mem>>
      %dma_start3A_371 = arith.constant 0 : i32
      %dma_start3A_372 = tpu.memref_slice %arg2[%dma_start3A_371, %mul3A_37] : memref<4x2048xi32, #tpu.memory_space<hbm>> -> memref<4x256xi32, #tpu.memory_space<hbm>>
      %dma_start3A_373 = arith.constant 0 : i32
      %dma_start3A_374 = tpu.memref_slice %arg2[%dma_start3A_373, %mul3A_37] : memref<4x2048xi32, #tpu.memory_space<hbm>> -> memref<4x256xi32, #tpu.memory_space<hbm>>
      tpu.enqueue_dma source(%dma_start3A_374 : memref<4x256xi32, #tpu.memory_space<hbm>>) target(%arg5 : memref<4x256xi32, #tpu.memory_space<vmem>>) target_semaphore(%run_scoped3A : memref<!tpu.dma_semaphore, #tpu.memory_space<semaphore_mem>>)
      %dma_wait3A_375 = arith.constant 0 : i32
      %dma_wait3A_376 = tpu.memref_slice %arg2[%dma_wait3A_375, %mul3A_37] : memref<4x2048xi32, #tpu.memory_space<hbm>> -> memref<4x256xi32, #tpu.memory_space<hbm>>
      %dma_wait3A_377 = arith.constant 0 : i32
      %dma_wait3A_378 = tpu.memref_slice %arg2[%dma_wait3A_377, %mul3A_37] : memref<4x2048xi32, #tpu.memory_space<hbm>> -> memref<4x256xi32, #tpu.memory_space<hbm>>
      tpu.wait_dma2 semaphore(%run_scoped3A : memref<!tpu.dma_semaphore, #tpu.memory_space<semaphore_mem>>) src(%dma_wait3A_378 : memref<4x256xi32, #tpu.memory_space<hbm>>) dst(%arg5 : memref<4x256xi32, #tpu.memory_space<vmem>>)
      tpu.yield
    }) : () -> ()
    %get3A = arith.index_cast %select_n3A_9 : i32 to index
    %get3A_38 = arith.constant 0 : index
    %get3A_39 = tpu.vector_load %arg5[%get3A, %get3A_38] {strides = array<i32>} : memref<4x256xi32, #tpu.memory_space<vmem>>, vector<1x16xi32>,
    %get3A_40 = vector.shape_cast %get3A_39 : vector<1x16xi32> to vector<16xi32>
    %dma_start3A = arith.constant 0 : i32
    %dma_start3A_41 = arith.constant 0 : i32
    %dma_start3A_42 = tpu.memref_slice %arg6[%dma_start3A, %dma_start3A_41] : memref<32x768xf32, #tpu.memory_space<vmem>> -> memref<16x768xf32, #tpu.memory_space<vmem>>
    %dma_start3A_43 = arith.constant 0 : i32
    %dma_start3A_44 = arith.constant 0 : i32
    %dma_start3A_45 = tpu.memref_slice %arg3[%dma_start3A_43, %dma_start3A_44] : memref<100000x768xf32, #tpu.memory_space<hbm>> -> memref<100000x768xf32, #tpu.memory_space<hbm>>
    tpu.enqueue_indirect_dma source(%dma_start3A_45 : memref<100000x768xf32, #tpu.memory_space<hbm>>) target(%dma_start3A_42 : memref<16x768xf32, #tpu.memory_space<vmem>>) offsets(%get3A_40 : vector<16xi32>) semaphore(%arg11 : memref<!tpu.dma_semaphore, #tpu.memory_space<semaphore_mem>>)
    %get3A_46 = arith.index_cast %select_n3A_9 : i32 to index
    %get3A_47 = arith.constant 16 : index
    %get3A_48 = tpu.vector_load %arg5[%get3A_46, %get3A_47] {strides = array<i32>} : memref<4x256xi32, #tpu.memory_space<vmem>>, vector<1x16xi32>,
    %get3A_49 = vector.shape_cast %get3A_48 : vector<1x16xi32> to vector<16xi32>
    %dma_start3A_50 = arith.constant 16 : i32
    %dma_start3A_51 = arith.constant 0 : i32
    %dma_start3A_52 = tpu.memref_slice %arg6[%dma_start3A_50, %dma_start3A_51] : memref<32x768xf32, #tpu.memory_space<vmem>> -> memref<16x768xf32, #tpu.memory_space<vmem>>
    %dma_start3A_53 = arith.constant 0 : i32
    %dma_start3A_54 = arith.constant 0 : i32
    %dma_start3A_55 = tpu.memref_slice %arg3[%dma_start3A_53, %dma_start3A_54] : memref<100000x768xf32, #tpu.memory_space<hbm>> -> memref<100000x768xf32, #tpu.memory_space<hbm>>
    tpu.enqueue_indirect_dma source(%dma_start3A_55 : memref<100000x768xf32, #tpu.memory_space<hbm>>) target(%dma_start3A_52 : memref<16x768xf32, #tpu.memory_space<vmem>>) offsets(%get3A_49 : vector<16xi32>) semaphore(%arg11 : memref<!tpu.dma_semaphore, #tpu.memory_space<semaphore_mem>>)
    %get3A_56 = arith.index_cast %select_n3A_9 : i32 to index
    %get3A_57 = arith.constant 32 : index
    %get3A_58 = tpu.vector_load %arg5[%get3A_56, %get3A_57] {strides = array<i32>} : memref<4x256xi32, #tpu.memory_space<vmem>>, vector<1x16xi32>,
    %get3A_59 = vector.shape_cast %get3A_58 : vector<1x16xi32> to vector<16xi32>
    %dma_start3A_60 = arith.constant 0 : i32
    %dma_start3A_61 = arith.constant 0 : i32
    %dma_start3A_62 = tpu.memref_slice %arg7[%dma_start3A_60, %dma_start3A_61] : memref<32x768xf32, #tpu.memory_space<vmem>> -> memref<16x768xf32, #tpu.memory_space<vmem>>
    %dma_start3A_63 = arith.constant 0 : i32
    %dma_start3A_64 = arith.constant 0 : i32
    %dma_start3A_65 = tpu.memref_slice %arg3[%dma_start3A_63, %dma_start3A_64] : memref<100000x768xf32, #tpu.memory_space<hbm>> -> memref<100000x768xf32, #tpu.memory_space<hbm>>
    tpu.enqueue_indirect_dma source(%dma_start3A_65 : memref<100000x768xf32, #tpu.memory_space<hbm>>) target(%dma_start3A_62 : memref<16x768xf32, #tpu.memory_space<vmem>>) offsets(%get3A_59 : vector<16xi32>) semaphore(%arg12 : memref<!tpu.dma_semaphore, #tpu.memory_space<semaphore_mem>>)
    %get3A_66 = arith.index_cast %select_n3A_9 : i32 to index
    %get3A_67 = arith.constant 48 : index
    %get3A_68 = tpu.vector_load %arg5[%get3A_66, %get3A_67] {strides = array<i32>} : memref<4x256xi32, #tpu.memory_space<vmem>>, vector<1x16xi32>,
    %get3A_69 = vector.shape_cast %get3A_68 : vector<1x16xi32> to vector<16xi32>
    %dma_start3A_70 = arith.constant 16 : i32
    %dma_start3A_71 = arith.constant 0 : i32
    %dma_start3A_72 = tpu.memref_slice %arg7[%dma_start3A_70, %dma_start3A_71] : memref<32x768xf32, #tpu.memory_space<vmem>> -> memref<16x768xf32, #tpu.memory_space<vmem>>
    %dma_start3A_73 = arith.constant 0 : i32
    %dma_start3A_74 = arith.constant 0 : i32
    %dma_start3A_75 = tpu.memref_slice %arg3[%dma_start3A_73, %dma_start3A_74] : memref<100000x768xf32, #tpu.memory_space<hbm>> -> memref<100000x768xf32, #tpu.memory_space<hbm>>
    tpu.enqueue_indirect_dma source(%dma_start3A_75 : memref<100000x768xf32, #tpu.memory_space<hbm>>) target(%dma_start3A_72 : memref<16x768xf32, #tpu.memory_space<vmem>>) offsets(%get3A_69 : vector<16xi32>) semaphore(%arg12 : memref<!tpu.dma_semaphore, #tpu.memory_space<semaphore_mem>>)
    %get3A_76 = arith.index_cast %select_n3A_9 : i32 to index
    %get3A_77 = arith.constant 64 : index
    %get3A_78 = tpu.vector_load %arg5[%get3A_76, %get3A_77] {strides = array<i32>} : memref<4x256xi32, #tpu.memory_space<vmem>>, vector<1x16xi32>,
    %get3A_79 = vector.shape_cast %get3A_78 : vector<1x16xi32> to vector<16xi32>
    %dma_start3A_80 = arith.constant 0 : i32
    %dma_start3A_81 = arith.constant 0 : i32
    %dma_start3A_82 = tpu.memref_slice %arg8[%dma_start3A_80, %dma_start3A_81] : memref<32x768xf32, #tpu.memory_space<vmem>> -> memref<16x768xf32, #tpu.memory_space<vmem>>
    %dma_start3A_83 = arith.constant 0 : i32
    %dma_start3A_84 = arith.constant 0 : i32
    %dma_start3A_85 = tpu.memref_slice %arg3[%dma_start3A_83, %dma_start3A_84] : memref<100000x768xf32, #tpu.memory_space<hbm>> -> memref<100000x768xf32, #tpu.memory_space<hbm>>
    tpu.enqueue_indirect_dma source(%dma_start3A_85 : memref<100000x768xf32, #tpu.memory_space<hbm>>) target(%dma_start3A_82 : memref<16x768xf32, #tpu.memory_space<vmem>>) offsets(%get3A_79 : vector<16xi32>) semaphore(%arg13 : memref<!tpu.dma_semaphore, #tpu.memory_space<semaphore_mem>>)
    %get3A_86 = arith.index_cast %select_n3A_9 : i32 to index
    %get3A_87 = arith.constant 80 : index
    %get3A_88 = tpu.vector_load %arg5[%get3A_86, %get3A_87] {strides = array<i32>} : memref<4x256xi32, #tpu.memory_space<vmem>>, vector<1x16xi32>,
    %get3A_89 = vector.shape_cast %get3A_88 : vector<1x16xi32> to vector<16xi32>
    %dma_start3A_90 = arith.constant 16 : i32
    %dma_start3A_91 = arith.constant 0 : i32
    %dma_start3A_92 = tpu.memref_slice %arg8[%dma_start3A_90, %dma_start3A_91] : memref<32x768xf32, #tpu.memory_space<vmem>> -> memref<16x768xf32, #tpu.memory_space<vmem>>
    %dma_start3A_93 = arith.constant 0 : i32
    %dma_start3A_94 = arith.constant 0 : i32
    %dma_start3A_95 = tpu.memref_slice %arg3[%dma_start3A_93, %dma_start3A_94] : memref<100000x768xf32, #tpu.memory_space<hbm>> -> memref<100000x768xf32, #tpu.memory_space<hbm>>
    tpu.enqueue_indirect_dma source(%dma_start3A_95 : memref<100000x768xf32, #tpu.memory_space<hbm>>) target(%dma_start3A_92 : memref<16x768xf32, #tpu.memory_space<vmem>>) offsets(%get3A_89 : vector<16xi32>) semaphore(%arg13 : memref<!tpu.dma_semaphore, #tpu.memory_space<semaphore_mem>>)
    %dma_wait3A = arith.constant 0 : i32
    %dma_wait3A_96 = arith.constant 0 : i32
    %dma_wait3A_97 = tpu.memref_slice %arg6[%dma_wait3A, %dma_wait3A_96] : memref<32x768xf32, #tpu.memory_space<vmem>> -> memref<16x768xf32, #tpu.memory_space<vmem>>
    %dma_wait3A_98 = arith.constant 0 : i32
    %dma_wait3A_99 = arith.constant 0 : i32
    %dma_wait3A_100 = tpu.memref_slice %arg3[%dma_wait3A_98, %dma_wait3A_99] : memref<100000x768xf32, #tpu.memory_space<hbm>> -> memref<100000x768xf32, #tpu.memory_space<hbm>>
    tpu.wait_indirect_dma semaphore(%arg11 : memref<!tpu.dma_semaphore, #tpu.memory_space<semaphore_mem>>) src(%dma_wait3A_100 : memref<100000x768xf32, #tpu.memory_space<hbm>>) dst(%dma_wait3A_97 : memref<16x768xf32, #tpu.memory_space<vmem>>)
    %dma_wait3A_101 = arith.constant 16 : i32
    %dma_wait3A_102 = arith.constant 0 : i32
    %dma_wait3A_103 = tpu.memref_slice %arg6[%dma_wait3A_101, %dma_wait3A_102] : memref<32x768xf32, #tpu.memory_space<vmem>> -> memref<16x768xf32, #tpu.memory_space<vmem>>
    %dma_wait3A_104 = arith.constant 0 : i32
    %dma_wait3A_105 = arith.constant 0 : i32
    %dma_wait3A_106 = tpu.memref_slice %arg3[%dma_wait3A_104, %dma_wait3A_105] : memref<100000x768xf32, #tpu.memory_space<hbm>> -> memref<100000x768xf32, #tpu.memory_space<hbm>>
    tpu.wait_indirect_dma semaphore(%arg11 : memref<!tpu.dma_semaphore, #tpu.memory_space<semaphore_mem>>) src(%dma_wait3A_106 : memref<100000x768xf32, #tpu.memory_space<hbm>>) dst(%dma_wait3A_103 : memref<16x768xf32, #tpu.memory_space<vmem>>)
    %add3A_107 = arith.constant 0 : i32
    %add3A_108 = arith.addi %add3A_35, %add3A_107 : i32
    %dma_start3A_109 = arith.constant 0 : i32
    %dma_start3A_110 = tpu.memref_slice %arg4[%add3A_108, %dma_start3A_109] : memref<8192x768xf32, #tpu.memory_space<hbm>> -> memref<32x768xf32, #tpu.memory_space<hbm>>
    %dma_start3A_111 = arith.constant 0 : i32
    %dma_start3A_112 = tpu.memref_slice %arg4[%add3A_108, %dma_start3A_111] : memref<8192x768xf32, #tpu.memory_space<hbm>> -> memref<32x768xf32, #tpu.memory_space<hbm>>
    tpu.enqueue_dma source(%arg6 : memref<32x768xf32, #tpu.memory_space<vmem>>) target(%dma_start3A_112 : memref<32x768xf32, #tpu.memory_space<hbm>>) target_semaphore(%arg16 : memref<!tpu.dma_semaphore, #tpu.memory_space<semaphore_mem>>)
    %get3A_113 = arith.index_cast %select_n3A_9 : i32 to index
    %get3A_114 = arith.constant 96 : index
    %get3A_115 = tpu.vector_load %arg5[%get3A_113, %get3A_114] {strides = array<i32>} : memref<4x256xi32, #tpu.memory_space<vmem>>, vector<1x16xi32>,
    %get3A_116 = vector.shape_cast %get3A_115 : vector<1x16xi32> to vector<16xi32>
    %dma_start3A_117 = arith.constant 0 : i32
    %dma_start3A_118 = arith.constant 0 : i32
    %dma_start3A_119 = tpu.memref_slice %arg9[%dma_start3A_117, %dma_start3A_118] : memref<32x768xf32, #tpu.memory_space<vmem>> -> memref<16x768xf32, #tpu.memory_space<vmem>>
    %dma_start3A_120 = arith.constant 0 : i32
    %dma_start3A_121 = arith.constant 0 : i32
    %dma_start3A_122 = tpu.memref_slice %arg3[%dma_start3A_120, %dma_start3A_121] : memref<100000x768xf32, #tpu.memory_space<hbm>> -> memref<100000x768xf32, #tpu.memory_space<hbm>>
    tpu.enqueue_indirect_dma source(%dma_start3A_122 : memref<100000x768xf32, #tpu.memory_space<hbm>>) target(%dma_start3A_119 : memref<16x768xf32, #tpu.memory_space<vmem>>) offsets(%get3A_116 : vector<16xi32>) semaphore(%arg14 : memref<!tpu.dma_semaphore, #tpu.memory_space<semaphore_mem>>)
    %get3A_123 = arith.index_cast %select_n3A_9 : i32 to index
    %get3A_124 = arith.constant 112 : index
    %get3A_125 = tpu.vector_load %arg5[%get3A_123, %get3A_124] {strides = array<i32>} : memref<4x256xi32, #tpu.memory_space<vmem>>, vector<1x16xi32>,
    %get3A_126 = vector.shape_cast %get3A_125 : vector<1x16xi32> to vector<16xi32>
    %dma_start3A_127 = arith.constant 16 : i32
    %dma_start3A_128 = arith.constant 0 : i32
    %dma_start3A_129 = tpu.memref_slice %arg9[%dma_start3A_127, %dma_start3A_128] : memref<32x768xf32, #tpu.memory_space<vmem>> -> memref<16x768xf32, #tpu.memory_space<vmem>>
    %dma_start3A_130 = arith.constant 0 : i32
    %dma_start3A_131 = arith.constant 0 : i32
    %dma_start3A_132 = tpu.memref_slice %arg3[%dma_start3A_130, %dma_start3A_131] : memref<100000x768xf32, #tpu.memory_space<hbm>> -> memref<100000x768xf32, #tpu.memory_space<hbm>>
    tpu.enqueue_indirect_dma source(%dma_start3A_132 : memref<100000x768xf32, #tpu.memory_space<hbm>>) target(%dma_start3A_129 : memref<16x768xf32, #tpu.memory_space<vmem>>) offsets(%get3A_126 : vector<16xi32>) semaphore(%arg14 : memref<!tpu.dma_semaphore, #tpu.memory_space<semaphore_mem>>)
    %dma_wait3A_133 = arith.constant 0 : i32
    %dma_wait3A_134 = arith.constant 0 : i32
    %dma_wait3A_135 = tpu.memref_slice %arg7[%dma_wait3A_133, %dma_wait3A_134] : memref<32x768xf32, #tpu.memory_space<vmem>> -> memref<16x768xf32, #tpu.memory_space<vmem>>
    %dma_wait3A_136 = arith.constant 0 : i32
    %dma_wait3A_137 = arith.constant 0 : i32
    %dma_wait3A_138 = tpu.memref_slice %arg3[%dma_wait3A_136, %dma_wait3A_137] : memref<100000x768xf32, #tpu.memory_space<hbm>> -> memref<100000x768xf32, #tpu.memory_space<hbm>>
    tpu.wait_indirect_dma semaphore(%arg12 : memref<!tpu.dma_semaphore, #tpu.memory_space<semaphore_mem>>) src(%dma_wait3A_138 : memref<100000x768xf32, #tpu.memory_space<hbm>>) dst(%dma_wait3A_135 : memref<16x768xf32, #tpu.memory_space<vmem>>)
    %dma_wait3A_139 = arith.constant 16 : i32
    %dma_wait3A_140 = arith.constant 0 : i32
    %dma_wait3A_141 = tpu.memref_slice %arg7[%dma_wait3A_139, %dma_wait3A_140] : memref<32x768xf32, #tpu.memory_space<vmem>> -> memref<16x768xf32, #tpu.memory_space<vmem>>
    %dma_wait3A_142 = arith.constant 0 : i32
    %dma_wait3A_143 = arith.constant 0 : i32
    %dma_wait3A_144 = tpu.memref_slice %arg3[%dma_wait3A_142, %dma_wait3A_143] : memref<100000x768xf32, #tpu.memory_space<hbm>> -> memref<100000x768xf32, #tpu.memory_space<hbm>>
    tpu.wait_indirect_dma semaphore(%arg12 : memref<!tpu.dma_semaphore, #tpu.memory_space<semaphore_mem>>) src(%dma_wait3A_144 : memref<100000x768xf32, #tpu.memory_space<hbm>>) dst(%dma_wait3A_141 : memref<16x768xf32, #tpu.memory_space<vmem>>)
    %add3A_145 = arith.constant 32 : i32
    %add3A_146 = arith.addi %add3A_35, %add3A_145 : i32
    %dma_start3A_147 = arith.constant 0 : i32
    %dma_start3A_148 = tpu.memref_slice %arg4[%add3A_146, %dma_start3A_147] : memref<8192x768xf32, #tpu.memory_space<hbm>> -> memref<32x768xf32, #tpu.memory_space<hbm>>
    %dma_start3A_149 = arith.constant 0 : i32
    %dma_start3A_150 = tpu.memref_slice %arg4[%add3A_146, %dma_start3A_149] : memref<8192x768xf32, #tpu.memory_space<hbm>> -> memref<32x768xf32, #tpu.memory_space<hbm>>
    tpu.enqueue_dma source(%arg7 : memref<32x768xf32, #tpu.memory_space<vmem>>) target(%dma_start3A_150 : memref<32x768xf32, #tpu.memory_space<hbm>>) target_semaphore(%arg17 : memref<!tpu.dma_semaphore, #tpu.memory_space<semaphore_mem>>)
    %get3A_151 = arith.index_cast %select_n3A_9 : i32 to index
    %get3A_152 = arith.constant 128 : index
    %get3A_153 = tpu.vector_load %arg5[%get3A_151, %get3A_152] {strides = array<i32>} : memref<4x256xi32, #tpu.memory_space<vmem>>, vector<1x16xi32>,
    %get3A_154 = vector.shape_cast %get3A_153 : vector<1x16xi32> to vector<16xi32>
    %dma_start3A_155 = arith.constant 0 : i32
    %dma_start3A_156 = arith.constant 0 : i32
    %dma_start3A_157 = tpu.memref_slice %arg10[%dma_start3A_155, %dma_start3A_156] : memref<32x768xf32, #tpu.memory_space<vmem>> -> memref<16x768xf32, #tpu.memory_space<vmem>>
    %dma_start3A_158 = arith.constant 0 : i32
    %dma_start3A_159 = arith.constant 0 : i32
    %dma_start3A_160 = tpu.memref_slice %arg3[%dma_start3A_158, %dma_start3A_159] : memref<100000x768xf32, #tpu.memory_space<hbm>> -> memref<100000x768xf32, #tpu.memory_space<hbm>>
    tpu.enqueue_indirect_dma source(%dma_start3A_160 : memref<100000x768xf32, #tpu.memory_space<hbm>>) target(%dma_start3A_157 : memref<16x768xf32, #tpu.memory_space<vmem>>) offsets(%get3A_154 : vector<16xi32>) semaphore(%arg15 : memref<!tpu.dma_semaphore, #tpu.memory_space<semaphore_mem>>)
    %get3A_161 = arith.index_cast %select_n3A_9 : i32 to index
    %get3A_162 = arith.constant 144 : index
    %get3A_163 = tpu.vector_load %arg5[%get3A_161, %get3A_162] {strides = array<i32>} : memref<4x256xi32, #tpu.memory_space<vmem>>, vector<1x16xi32>,
    %get3A_164 = vector.shape_cast %get3A_163 : vector<1x16xi32> to vector<16xi32>
    %dma_start3A_165 = arith.constant 16 : i32
    %dma_start3A_166 = arith.constant 0 : i32
    %dma_start3A_167 = tpu.memref_slice %arg10[%dma_start3A_165, %dma_start3A_166] : memref<32x768xf32, #tpu.memory_space<vmem>> -> memref<16x768xf32, #tpu.memory_space<vmem>>
    %dma_start3A_168 = arith.constant 0 : i32
    %dma_start3A_169 = arith.constant 0 : i32
    %dma_start3A_170 = tpu.memref_slice %arg3[%dma_start3A_168, %dma_start3A_169] : memref<100000x768xf32, #tpu.memory_space<hbm>> -> memref<100000x768xf32, #tpu.memory_space<hbm>>
    tpu.enqueue_indirect_dma source(%dma_start3A_170 : memref<100000x768xf32, #tpu.memory_space<hbm>>) target(%dma_start3A_167 : memref<16x768xf32, #tpu.memory_space<vmem>>) offsets(%get3A_164 : vector<16xi32>) semaphore(%arg15 : memref<!tpu.dma_semaphore, #tpu.memory_space<semaphore_mem>>)
    %dma_wait3A_171 = arith.constant 0 : i32
    %dma_wait3A_172 = arith.constant 0 : i32
    %dma_wait3A_173 = tpu.memref_slice %arg8[%dma_wait3A_171, %dma_wait3A_172] : memref<32x768xf32, #tpu.memory_space<vmem>> -> memref<16x768xf32, #tpu.memory_space<vmem>>
    %dma_wait3A_174 = arith.constant 0 : i32
    %dma_wait3A_175 = arith.constant 0 : i32
    %dma_wait3A_176 = tpu.memref_slice %arg3[%dma_wait3A_174, %dma_wait3A_175] : memref<100000x768xf32, #tpu.memory_space<hbm>> -> memref<100000x768xf32, #tpu.memory_space<hbm>>
    tpu.wait_indirect_dma semaphore(%arg13 : memref<!tpu.dma_semaphore, #tpu.memory_space<semaphore_mem>>) src(%dma_wait3A_176 : memref<100000x768xf32, #tpu.memory_space<hbm>>) dst(%dma_wait3A_173 : memref<16x768xf32, #tpu.memory_space<vmem>>)
    %dma_wait3A_177 = arith.constant 16 : i32
    %dma_wait3A_178 = arith.constant 0 : i32
    %dma_wait3A_179 = tpu.memref_slice %arg8[%dma_wait3A_177, %dma_wait3A_178] : memref<32x768xf32, #tpu.memory_space<vmem>> -> memref<16x768xf32, #tpu.memory_space<vmem>>
    %dma_wait3A_180 = arith.constant 0 : i32
    %dma_wait3A_181 = arith.constant 0 : i32
    %dma_wait3A_182 = tpu.memref_slice %arg3[%dma_wait3A_180, %dma_wait3A_181] : memref<100000x768xf32, #tpu.memory_space<hbm>> -> memref<100000x768xf32, #tpu.memory_space<hbm>>
    tpu.wait_indirect_dma semaphore(%arg13 : memref<!tpu.dma_semaphore, #tpu.memory_space<semaphore_mem>>) src(%dma_wait3A_182 : memref<100000x768xf32, #tpu.memory_space<hbm>>) dst(%dma_wait3A_179 : memref<16x768xf32, #tpu.memory_space<vmem>>)
    %add3A_183 = arith.constant 64 : i32
    %add3A_184 = arith.addi %add3A_35, %add3A_183 : i32
    %dma_start3A_185 = arith.constant 0 : i32
    %dma_start3A_186 = tpu.memref_slice %arg4[%add3A_184, %dma_start3A_185] : memref<8192x768xf32, #tpu.memory_space<hbm>> -> memref<32x768xf32, #tpu.memory_space<hbm>>
    %dma_start3A_187 = arith.constant 0 : i32
    %dma_start3A_188 = tpu.memref_slice %arg4[%add3A_184, %dma_start3A_187] : memref<8192x768xf32, #tpu.memory_space<hbm>> -> memref<32x768xf32, #tpu.memory_space<hbm>>
    tpu.enqueue_dma source(%arg8 : memref<32x768xf32, #tpu.memory_space<vmem>>) target(%dma_start3A_188 : memref<32x768xf32, #tpu.memory_space<hbm>>) target_semaphore(%arg18 : memref<!tpu.dma_semaphore, #tpu.memory_space<semaphore_mem>>)
    %dma_wait3A_189 = arith.constant 0 : i32
    %dma_wait3A_190 = tpu.memref_slice %arg4[%add3A_108, %dma_wait3A_189] : memref<8192x768xf32, #tpu.memory_space<hbm>> -> memref<32x768xf32, #tpu.memory_space<hbm>>
    %dma_wait3A_191 = arith.constant 0 : i32
    %dma_wait3A_192 = tpu.memref_slice %arg4[%add3A_108, %dma_wait3A_191] : memref<8192x768xf32, #tpu.memory_space<hbm>> -> memref<32x768xf32, #tpu.memory_space<hbm>>
    tpu.wait_dma2 semaphore(%arg16 : memref<!tpu.dma_semaphore, #tpu.memory_space<semaphore_mem>>) src(%arg6 : memref<32x768xf32, #tpu.memory_space<vmem>>) dst(%dma_wait3A_192 : memref<32x768xf32, #tpu.memory_space<hbm>>)
    %get3A_193 = arith.index_cast %select_n3A_9 : i32 to index
    %get3A_194 = arith.constant 160 : index
    %get3A_195 = tpu.vector_load %arg5[%get3A_193, %get3A_194] {strides = array<i32>} : memref<4x256xi32, #tpu.memory_space<vmem>>, vector<1x16xi32>,
    %get3A_196 = vector.shape_cast %get3A_195 : vector<1x16xi32> to vector<16xi32>
    %dma_start3A_197 = arith.constant 0 : i32
    %dma_start3A_198 = arith.constant 0 : i32
    %dma_start3A_199 = tpu.memref_slice %arg6[%dma_start3A_197, %dma_start3A_198] : memref<32x768xf32, #tpu.memory_space<vmem>> -> memref<16x768xf32, #tpu.memory_space<vmem>>
    %dma_start3A_200 = arith.constant 0 : i32
    %dma_start3A_201 = arith.constant 0 : i32
    %dma_start3A_202 = tpu.memref_slice %arg3[%dma_start3A_200, %dma_start3A_201] : memref<100000x768xf32, #tpu.memory_space<hbm>> -> memref<100000x768xf32, #tpu.memory_space<hbm>>
    tpu.enqueue_indirect_dma source(%dma_start3A_202 : memref<100000x768xf32, #tpu.memory_space<hbm>>) target(%dma_start3A_199 : memref<16x768xf32, #tpu.memory_space<vmem>>) offsets(%get3A_196 : vector<16xi32>) semaphore(%arg11 : memref<!tpu.dma_semaphore, #tpu.memory_space<semaphore_mem>>)
    %get3A_203 = arith.index_cast %select_n3A_9 : i32 to index
    %get3A_204 = arith.constant 176 : index
    %get3A_205 = tpu.vector_load %arg5[%get3A_203, %get3A_204] {strides = array<i32>} : memref<4x256xi32, #tpu.memory_space<vmem>>, vector<1x16xi32>,
    %get3A_206 = vector.shape_cast %get3A_205 : vector<1x16xi32> to vector<16xi32>
    %dma_start3A_207 = arith.constant 16 : i32
    %dma_start3A_208 = arith.constant 0 : i32
    %dma_start3A_209 = tpu.memref_slice %arg6[%dma_start3A_207, %dma_start3A_208] : memref<32x768xf32, #tpu.memory_space<vmem>> -> memref<16x768xf32, #tpu.memory_space<vmem>>
    %dma_start3A_210 = arith.constant 0 : i32
    %dma_start3A_211 = arith.constant 0 : i32
    %dma_start3A_212 = tpu.memref_slice %arg3[%dma_start3A_210, %dma_start3A_211] : memref<100000x768xf32, #tpu.memory_space<hbm>> -> memref<100000x768xf32, #tpu.memory_space<hbm>>
    tpu.enqueue_indirect_dma source(%dma_start3A_212 : memref<100000x768xf32, #tpu.memory_space<hbm>>) target(%dma_start3A_209 : memref<16x768xf32, #tpu.memory_space<vmem>>) offsets(%get3A_206 : vector<16xi32>) semaphore(%arg11 : memref<!tpu.dma_semaphore, #tpu.memory_space<semaphore_mem>>)
    %dma_wait3A_213 = arith.constant 0 : i32
    %dma_wait3A_214 = arith.constant 0 : i32
    %dma_wait3A_215 = tpu.memref_slice %arg9[%dma_wait3A_213, %dma_wait3A_214] : memref<32x768xf32, #tpu.memory_space<vmem>> -> memref<16x768xf32, #tpu.memory_space<vmem>>
    %dma_wait3A_216 = arith.constant 0 : i32
    %dma_wait3A_217 = arith.constant 0 : i32
    %dma_wait3A_218 = tpu.memref_slice %arg3[%dma_wait3A_216, %dma_wait3A_217] : memref<100000x768xf32, #tpu.memory_space<hbm>> -> memref<100000x768xf32, #tpu.memory_space<hbm>>
    tpu.wait_indirect_dma semaphore(%arg14 : memref<!tpu.dma_semaphore, #tpu.memory_space<semaphore_mem>>) src(%dma_wait3A_218 : memref<100000x768xf32, #tpu.memory_space<hbm>>) dst(%dma_wait3A_215 : memref<16x768xf32, #tpu.memory_space<vmem>>)
    %dma_wait3A_219 = arith.constant 16 : i32
    %dma_wait3A_220 = arith.constant 0 : i32
    %dma_wait3A_221 = tpu.memref_slice %arg9[%dma_wait3A_219, %dma_wait3A_220] : memref<32x768xf32, #tpu.memory_space<vmem>> -> memref<16x768xf32, #tpu.memory_space<vmem>>
    %dma_wait3A_222 = arith.constant 0 : i32
    %dma_wait3A_223 = arith.constant 0 : i32
    %dma_wait3A_224 = tpu.memref_slice %arg3[%dma_wait3A_222, %dma_wait3A_223] : memref<100000x768xf32, #tpu.memory_space<hbm>> -> memref<100000x768xf32, #tpu.memory_space<hbm>>
    tpu.wait_indirect_dma semaphore(%arg14 : memref<!tpu.dma_semaphore, #tpu.memory_space<semaphore_mem>>) src(%dma_wait3A_224 : memref<100000x768xf32, #tpu.memory_space<hbm>>) dst(%dma_wait3A_221 : memref<16x768xf32, #tpu.memory_space<vmem>>)
    %add3A_225 = arith.constant 96 : i32
    %add3A_226 = arith.addi %add3A_35, %add3A_225 : i32
    %dma_start3A_227 = arith.constant 0 : i32
    %dma_start3A_228 = tpu.memref_slice %arg4[%add3A_226, %dma_start3A_227] : memref<8192x768xf32, #tpu.memory_space<hbm>> -> memref<32x768xf32, #tpu.memory_space<hbm>>
    %dma_start3A_229 = arith.constant 0 : i32
    %dma_start3A_230 = tpu.memref_slice %arg4[%add3A_226, %dma_start3A_229] : memref<8192x768xf32, #tpu.memory_space<hbm>> -> memref<32x768xf32, #tpu.memory_space<hbm>>
    tpu.enqueue_dma source(%arg9 : memref<32x768xf32, #tpu.memory_space<vmem>>) target(%dma_start3A_230 : memref<32x768xf32, #tpu.memory_space<hbm>>) target_semaphore(%arg19 : memref<!tpu.dma_semaphore, #tpu.memory_space<semaphore_mem>>)
    %dma_wait3A_231 = arith.constant 0 : i32
    %dma_wait3A_232 = tpu.memref_slice %arg4[%add3A_146, %dma_wait3A_231] : memref<8192x768xf32, #tpu.memory_space<hbm>> -> memref<32x768xf32, #tpu.memory_space<hbm>>
    %dma_wait3A_233 = arith.constant 0 : i32
    %dma_wait3A_234 = tpu.memref_slice %arg4[%add3A_146, %dma_wait3A_233] : memref<8192x768xf32, #tpu.memory_space<hbm>> -> memref<32x768xf32, #tpu.memory_space<hbm>>
    tpu.wait_dma2 semaphore(%arg17 : memref<!tpu.dma_semaphore, #tpu.memory_space<semaphore_mem>>) src(%arg7 : memref<32x768xf32, #tpu.memory_space<vmem>>) dst(%dma_wait3A_234 : memref<32x768xf32, #tpu.memory_space<hbm>>)
    %get3A_235 = arith.index_cast %select_n3A_9 : i32 to index
    %get3A_236 = arith.constant 192 : index
    %get3A_237 = tpu.vector_load %arg5[%get3A_235, %get3A_236] {strides = array<i32>} : memref<4x256xi32, #tpu.memory_space<vmem>>, vector<1x16xi32>,
    %get3A_238 = vector.shape_cast %get3A_237 : vector<1x16xi32> to vector<16xi32>
    %dma_start3A_239 = arith.constant 0 : i32
    %dma_start3A_240 = arith.constant 0 : i32
    %dma_start3A_241 = tpu.memref_slice %arg7[%dma_start3A_239, %dma_start3A_240] : memref<32x768xf32, #tpu.memory_space<vmem>> -> memref<16x768xf32, #tpu.memory_space<vmem>>
    %dma_start3A_242 = arith.constant 0 : i32
    %dma_start3A_243 = arith.constant 0 : i32
    %dma_start3A_244 = tpu.memref_slice %arg3[%dma_start3A_242, %dma_start3A_243] : memref<100000x768xf32, #tpu.memory_space<hbm>> -> memref<100000x768xf32, #tpu.memory_space<hbm>>
    tpu.enqueue_indirect_dma source(%dma_start3A_244 : memref<100000x768xf32, #tpu.memory_space<hbm>>) target(%dma_start3A_241 : memref<16x768xf32, #tpu.memory_space<vmem>>) offsets(%get3A_238 : vector<16xi32>) semaphore(%arg12 : memref<!tpu.dma_semaphore, #tpu.memory_space<semaphore_mem>>)
    %get3A_245 = arith.index_cast %select_n3A_9 : i32 to index
    %get3A_246 = arith.constant 208 : index
    %get3A_247 = tpu.vector_load %arg5[%get3A_245, %get3A_246] {strides = array<i32>} : memref<4x256xi32, #tpu.memory_space<vmem>>, vector<1x16xi32>,
    %get3A_248 = vector.shape_cast %get3A_247 : vector<1x16xi32> to vector<16xi32>
    %dma_start3A_249 = arith.constant 16 : i32
    %dma_start3A_250 = arith.constant 0 : i32
    %dma_start3A_251 = tpu.memref_slice %arg7[%dma_start3A_249, %dma_start3A_250] : memref<32x768xf32, #tpu.memory_space<vmem>> -> memref<16x768xf32, #tpu.memory_space<vmem>>
    %dma_start3A_252 = arith.constant 0 : i32
    %dma_start3A_253 = arith.constant 0 : i32
    %dma_start3A_254 = tpu.memref_slice %arg3[%dma_start3A_252, %dma_start3A_253] : memref<100000x768xf32, #tpu.memory_space<hbm>> -> memref<100000x768xf32, #tpu.memory_space<hbm>>
    tpu.enqueue_indirect_dma source(%dma_start3A_254 : memref<100000x768xf32, #tpu.memory_space<hbm>>) target(%dma_start3A_251 : memref<16x768xf32, #tpu.memory_space<vmem>>) offsets(%get3A_248 : vector<16xi32>) semaphore(%arg12 : memref<!tpu.dma_semaphore, #tpu.memory_space<semaphore_mem>>)
    %dma_wait3A_255 = arith.constant 0 : i32
    %dma_wait3A_256 = arith.constant 0 : i32
    %dma_wait3A_257 = tpu.memref_slice %arg10[%dma_wait3A_255, %dma_wait3A_256] : memref<32x768xf32, #tpu.memory_space<vmem>> -> memref<16x768xf32, #tpu.memory_space<vmem>>
    %dma_wait3A_258 = arith.constant 0 : i32
    %dma_wait3A_259 = arith.constant 0 : i32
    %dma_wait3A_260 = tpu.memref_slice %arg3[%dma_wait3A_258, %dma_wait3A_259] : memref<100000x768xf32, #tpu.memory_space<hbm>> -> memref<100000x768xf32, #tpu.memory_space<hbm>>
    tpu.wait_indirect_dma semaphore(%arg15 : memref<!tpu.dma_semaphore, #tpu.memory_space<semaphore_mem>>) src(%dma_wait3A_260 : memref<100000x768xf32, #tpu.memory_space<hbm>>) dst(%dma_wait3A_257 : memref<16x768xf32, #tpu.memory_space<vmem>>)
    %dma_wait3A_261 = arith.constant 16 : i32
    %dma_wait3A_262 = arith.constant 0 : i32
    %dma_wait3A_263 = tpu.memref_slice %arg10[%dma_wait3A_261, %dma_wait3A_262] : memref<32x768xf32, #tpu.memory_space<vmem>> -> memref<16x768xf32, #tpu.memory_space<vmem>>
    %dma_wait3A_264 = arith.constant 0 : i32
    %dma_wait3A_265 = arith.constant 0 : i32
    %dma_wait3A_266 = tpu.memref_slice %arg3[%dma_wait3A_264, %dma_wait3A_265] : memref<100000x768xf32, #tpu.memory_space<hbm>> -> memref<100000x768xf32, #tpu.memory_space<hbm>>
    tpu.wait_indirect_dma semaphore(%arg15 : memref<!tpu.dma_semaphore, #tpu.memory_space<semaphore_mem>>) src(%dma_wait3A_266 : memref<100000x768xf32, #tpu.memory_space<hbm>>) dst(%dma_wait3A_263 : memref<16x768xf32, #tpu.memory_space<vmem>>)
    %add3A_267 = arith.constant 128 : i32
    %add3A_268 = arith.addi %add3A_35, %add3A_267 : i32
    %dma_start3A_269 = arith.constant 0 : i32
    %dma_start3A_270 = tpu.memref_slice %arg4[%add3A_268, %dma_start3A_269] : memref<8192x768xf32, #tpu.memory_space<hbm>> -> memref<32x768xf32, #tpu.memory_space<hbm>>
    %dma_start3A_271 = arith.constant 0 : i32
    %dma_start3A_272 = tpu.memref_slice %arg4[%add3A_268, %dma_start3A_271] : memref<8192x768xf32, #tpu.memory_space<hbm>> -> memref<32x768xf32, #tpu.memory_space<hbm>>
    tpu.enqueue_dma source(%arg10 : memref<32x768xf32, #tpu.memory_space<vmem>>) target(%dma_start3A_272 : memref<32x768xf32, #tpu.memory_space<hbm>>) target_semaphore(%arg20 : memref<!tpu.dma_semaphore, #tpu.memory_space<semaphore_mem>>)
    %dma_wait3A_273 = arith.constant 0 : i32
    %dma_wait3A_274 = tpu.memref_slice %arg4[%add3A_184, %dma_wait3A_273] : memref<8192x768xf32, #tpu.memory_space<hbm>> -> memref<32x768xf32, #tpu.memory_space<hbm>>
    %dma_wait3A_275 = arith.constant 0 : i32
    %dma_wait3A_276 = tpu.memref_slice %arg4[%add3A_184, %dma_wait3A_275] : memref<8192x768xf32, #tpu.memory_space<hbm>> -> memref<32x768xf32, #tpu.memory_space<hbm>>
    tpu.wait_dma2 semaphore(%arg18 : memref<!tpu.dma_semaphore, #tpu.memory_space<semaphore_mem>>) src(%arg8 : memref<32x768xf32, #tpu.memory_space<vmem>>) dst(%dma_wait3A_276 : memref<32x768xf32, #tpu.memory_space<hbm>>)
    %get3A_277 = arith.index_cast %select_n3A_9 : i32 to index
    %get3A_278 = arith.constant 224 : index
    %get3A_279 = tpu.vector_load %arg5[%get3A_277, %get3A_278] {strides = array<i32>} : memref<4x256xi32, #tpu.memory_space<vmem>>, vector<1x16xi32>,
    %get3A_280 = vector.shape_cast %get3A_279 : vector<1x16xi32> to vector<16xi32>
    %dma_start3A_281 = arith.constant 0 : i32
    %dma_start3A_282 = arith.constant 0 : i32
    %dma_start3A_283 = tpu.memref_slice %arg8[%dma_start3A_281, %dma_start3A_282] : memref<32x768xf32, #tpu.memory_space<vmem>> -> memref<16x768xf32, #tpu.memory_space<vmem>>
    %dma_start3A_284 = arith.constant 0 : i32
    %dma_start3A_285 = arith.constant 0 : i32
    %dma_start3A_286 = tpu.memref_slice %arg3[%dma_start3A_284, %dma_start3A_285] : memref<100000x768xf32, #tpu.memory_space<hbm>> -> memref<100000x768xf32, #tpu.memory_space<hbm>>
    tpu.enqueue_indirect_dma source(%dma_start3A_286 : memref<100000x768xf32, #tpu.memory_space<hbm>>) target(%dma_start3A_283 : memref<16x768xf32, #tpu.memory_space<vmem>>) offsets(%get3A_280 : vector<16xi32>) semaphore(%arg13 : memref<!tpu.dma_semaphore, #tpu.memory_space<semaphore_mem>>)
    %get3A_287 = arith.index_cast %select_n3A_9 : i32 to index
    %get3A_288 = arith.constant 240 : index
    %get3A_289 = tpu.vector_load %arg5[%get3A_287, %get3A_288] {strides = array<i32>} : memref<4x256xi32, #tpu.memory_space<vmem>>, vector<1x16xi32>,
    %get3A_290 = vector.shape_cast %get3A_289 : vector<1x16xi32> to vector<16xi32>
    %dma_start3A_291 = arith.constant 16 : i32
    %dma_start3A_292 = arith.constant 0 : i32
    %dma_start3A_293 = tpu.memref_slice %arg8[%dma_start3A_291, %dma_start3A_292] : memref<32x768xf32, #tpu.memory_space<vmem>> -> memref<16x768xf32, #tpu.memory_space<vmem>>
    %dma_start3A_294 = arith.constant 0 : i32
    %dma_start3A_295 = arith.constant 0 : i32
    %dma_start3A_296 = tpu.memref_slice %arg3[%dma_start3A_294, %dma_start3A_295] : memref<100000x768xf32, #tpu.memory_space<hbm>> -> memref<100000x768xf32, #tpu.memory_space<hbm>>
    tpu.enqueue_indirect_dma source(%dma_start3A_296 : memref<100000x768xf32, #tpu.memory_space<hbm>>) target(%dma_start3A_293 : memref<16x768xf32, #tpu.memory_space<vmem>>) offsets(%get3A_290 : vector<16xi32>) semaphore(%arg13 : memref<!tpu.dma_semaphore, #tpu.memory_space<semaphore_mem>>)
    %dma_wait3A_297 = arith.constant 0 : i32
    %dma_wait3A_298 = arith.constant 0 : i32
    %dma_wait3A_299 = tpu.memref_slice %arg6[%dma_wait3A_297, %dma_wait3A_298] : memref<32x768xf32, #tpu.memory_space<vmem>> -> memref<16x768xf32, #tpu.memory_space<vmem>>
    %dma_wait3A_300 = arith.constant 0 : i32
    %dma_wait3A_301 = arith.constant 0 : i32
    %dma_wait3A_302 = tpu.memref_slice %arg3[%dma_wait3A_300, %dma_wait3A_301] : memref<100000x768xf32, #tpu.memory_space<hbm>> -> memref<100000x768xf32, #tpu.memory_space<hbm>>
    tpu.wait_indirect_dma semaphore(%arg11 : memref<!tpu.dma_semaphore, #tpu.memory_space<semaphore_mem>>) src(%dma_wait3A_302 : memref<100000x768xf32, #tpu.memory_space<hbm>>) dst(%dma_wait3A_299 : memref<16x768xf32, #tpu.memory_space<vmem>>)
    %dma_wait3A_303 = arith.constant 16 : i32
    %dma_wait3A_304 = arith.constant 0 : i32
    %dma_wait3A_305 = tpu.memref_slice %arg6[%dma_wait3A_303, %dma_wait3A_304] : memref<32x768xf32, #tpu.memory_space<vmem>> -> memref<16x768xf32, #tpu.memory_space<vmem>>
    %dma_wait3A_306 = arith.constant 0 : i32
    %dma_wait3A_307 = arith.constant 0 : i32
    %dma_wait3A_308 = tpu.memref_slice %arg3[%dma_wait3A_306, %dma_wait3A_307] : memref<100000x768xf32, #tpu.memory_space<hbm>> -> memref<100000x768xf32, #tpu.memory_space<hbm>>
    tpu.wait_indirect_dma semaphore(%arg11 : memref<!tpu.dma_semaphore, #tpu.memory_space<semaphore_mem>>) src(%dma_wait3A_308 : memref<100000x768xf32, #tpu.memory_space<hbm>>) dst(%dma_wait3A_305 : memref<16x768xf32, #tpu.memory_space<vmem>>)
    %add3A_309 = arith.constant 160 : i32
    %add3A_310 = arith.addi %add3A_35, %add3A_309 : i32
    %dma_start3A_311 = arith.constant 0 : i32
    %dma_start3A_312 = tpu.memref_slice %arg4[%add3A_310, %dma_start3A_311] : memref<8192x768xf32, #tpu.memory_space<hbm>> -> memref<32x768xf32, #tpu.memory_space<hbm>>
    %dma_start3A_313 = arith.constant 0 : i32
    %dma_start3A_314 = tpu.memref_slice %arg4[%add3A_310, %dma_start3A_313] : memref<8192x768xf32, #tpu.memory_space<hbm>> -> memref<32x768xf32, #tpu.memory_space<hbm>>
    tpu.enqueue_dma source(%arg6 : memref<32x768xf32, #tpu.memory_space<vmem>>) target(%dma_start3A_314 : memref<32x768xf32, #tpu.memory_space<hbm>>) target_semaphore(%arg16 : memref<!tpu.dma_semaphore, #tpu.memory_space<semaphore_mem>>)
    %dma_wait3A_315 = arith.constant 0 : i32
    %dma_wait3A_316 = arith.constant 0 : i32
    %dma_wait3A_317 = tpu.memref_slice %arg7[%dma_wait3A_315, %dma_wait3A_316] : memref<32x768xf32, #tpu.memory_space<vmem>> -> memref<16x768xf32, #tpu.memory_space<vmem>>
    %dma_wait3A_318 = arith.constant 0 : i32
    %dma_wait3A_319 = arith.constant 0 : i32
    %dma_wait3A_320 = tpu.memref_slice %arg3[%dma_wait3A_318, %dma_wait3A_319] : memref<100000x768xf32, #tpu.memory_space<hbm>> -> memref<100000x768xf32, #tpu.memory_space<hbm>>
    tpu.wait_indirect_dma semaphore(%arg12 : memref<!tpu.dma_semaphore, #tpu.memory_space<semaphore_mem>>) src(%dma_wait3A_320 : memref<100000x768xf32, #tpu.memory_space<hbm>>) dst(%dma_wait3A_317 : memref<16x768xf32, #tpu.memory_space<vmem>>)
    %dma_wait3A_321 = arith.constant 16 : i32
    %dma_wait3A_322 = arith.constant 0 : i32
    %dma_wait3A_323 = tpu.memref_slice %arg7[%dma_wait3A_321, %dma_wait3A_322] : memref<32x768xf32, #tpu.memory_space<vmem>> -> memref<16x768xf32, #tpu.memory_space<vmem>>
    %dma_wait3A_324 = arith.constant 0 : i32
    %dma_wait3A_325 = arith.constant 0 : i32
    %dma_wait3A_326 = tpu.memref_slice %arg3[%dma_wait3A_324, %dma_wait3A_325] : memref<100000x768xf32, #tpu.memory_space<hbm>> -> memref<100000x768xf32, #tpu.memory_space<hbm>>
    tpu.wait_indirect_dma semaphore(%arg12 : memref<!tpu.dma_semaphore, #tpu.memory_space<semaphore_mem>>) src(%dma_wait3A_326 : memref<100000x768xf32, #tpu.memory_space<hbm>>) dst(%dma_wait3A_323 : memref<16x768xf32, #tpu.memory_space<vmem>>)
    %add3A_327 = arith.constant 192 : i32
    %add3A_328 = arith.addi %add3A_35, %add3A_327 : i32
    %dma_start3A_329 = arith.constant 0 : i32
    %dma_start3A_330 = tpu.memref_slice %arg4[%add3A_328, %dma_start3A_329] : memref<8192x768xf32, #tpu.memory_space<hbm>> -> memref<32x768xf32, #tpu.memory_space<hbm>>
    %dma_start3A_331 = arith.constant 0 : i32
    %dma_start3A_332 = tpu.memref_slice %arg4[%add3A_328, %dma_start3A_331] : memref<8192x768xf32, #tpu.memory_space<hbm>> -> memref<32x768xf32, #tpu.memory_space<hbm>>
    tpu.enqueue_dma source(%arg7 : memref<32x768xf32, #tpu.memory_space<vmem>>) target(%dma_start3A_332 : memref<32x768xf32, #tpu.memory_space<hbm>>) target_semaphore(%arg17 : memref<!tpu.dma_semaphore, #tpu.memory_space<semaphore_mem>>)
    %dma_wait3A_333 = arith.constant 0 : i32
    %dma_wait3A_334 = arith.constant 0 : i32
    %dma_wait3A_335 = tpu.memref_slice %arg8[%dma_wait3A_333, %dma_wait3A_334] : memref<32x768xf32, #tpu.memory_space<vmem>> -> memref<16x768xf32, #tpu.memory_space<vmem>>
    %dma_wait3A_336 = arith.constant 0 : i32
    %dma_wait3A_337 = arith.constant 0 : i32
    %dma_wait3A_338 = tpu.memref_slice %arg3[%dma_wait3A_336, %dma_wait3A_337] : memref<100000x768xf32, #tpu.memory_space<hbm>> -> memref<100000x768xf32, #tpu.memory_space<hbm>>
    tpu.wait_indirect_dma semaphore(%arg13 : memref<!tpu.dma_semaphore, #tpu.memory_space<semaphore_mem>>) src(%dma_wait3A_338 : memref<100000x768xf32, #tpu.memory_space<hbm>>) dst(%dma_wait3A_335 : memref<16x768xf32, #tpu.memory_space<vmem>>)
    %dma_wait3A_339 = arith.constant 16 : i32
    %dma_wait3A_340 = arith.constant 0 : i32
    %dma_wait3A_341 = tpu.memref_slice %arg8[%dma_wait3A_339, %dma_wait3A_340] : memref<32x768xf32, #tpu.memory_space<vmem>> -> memref<16x768xf32, #tpu.memory_space<vmem>>
    %dma_wait3A_342 = arith.constant 0 : i32
    %dma_wait3A_343 = arith.constant 0 : i32
    %dma_wait3A_344 = tpu.memref_slice %arg3[%dma_wait3A_342, %dma_wait3A_343] : memref<100000x768xf32, #tpu.memory_space<hbm>> -> memref<100000x768xf32, #tpu.memory_space<hbm>>
    tpu.wait_indirect_dma semaphore(%arg13 : memref<!tpu.dma_semaphore, #tpu.memory_space<semaphore_mem>>) src(%dma_wait3A_344 : memref<100000x768xf32, #tpu.memory_space<hbm>>) dst(%dma_wait3A_341 : memref<16x768xf32, #tpu.memory_space<vmem>>)
    %add3A_345 = arith.constant 224 : i32
    %add3A_346 = arith.addi %add3A_35, %add3A_345 : i32
    %dma_start3A_347 = arith.constant 0 : i32
    %dma_start3A_348 = tpu.memref_slice %arg4[%add3A_346, %dma_start3A_347] : memref<8192x768xf32, #tpu.memory_space<hbm>> -> memref<32x768xf32, #tpu.memory_space<hbm>>
    %dma_start3A_349 = arith.constant 0 : i32
    %dma_start3A_350 = tpu.memref_slice %arg4[%add3A_346, %dma_start3A_349] : memref<8192x768xf32, #tpu.memory_space<hbm>> -> memref<32x768xf32, #tpu.memory_space<hbm>>
    tpu.enqueue_dma source(%arg8 : memref<32x768xf32, #tpu.memory_space<vmem>>) target(%dma_start3A_350 : memref<32x768xf32, #tpu.memory_space<hbm>>) target_semaphore(%arg18 : memref<!tpu.dma_semaphore, #tpu.memory_space<semaphore_mem>>)
    %dma_wait3A_351 = arith.constant 0 : i32
    %dma_wait3A_352 = tpu.memref_slice %arg4[%add3A_226, %dma_wait3A_351] : memref<8192x768xf32, #tpu.memory_space<hbm>> -> memref<32x768xf32, #tpu.memory_space<hbm>>
    %dma_wait3A_353 = arith.constant 0 : i32
    %dma_wait3A_354 = tpu.memref_slice %arg4[%add3A_226, %dma_wait3A_353] : memref<8192x768xf32, #tpu.memory_space<hbm>> -> memref<32x768xf32, #tpu.memory_space<hbm>>
    tpu.wait_dma2 semaphore(%arg19 : memref<!tpu.dma_semaphore, #tpu.memory_space<semaphore_mem>>) src(%arg9 : memref<32x768xf32, #tpu.memory_space<vmem>>) dst(%dma_wait3A_354 : memref<32x768xf32, #tpu.memory_space<hbm>>)
    %dma_wait3A_355 = arith.constant 0 : i32
    %dma_wait3A_356 = tpu.memref_slice %arg4[%add3A_268, %dma_wait3A_355] : memref<8192x768xf32, #tpu.memory_space<hbm>> -> memref<32x768xf32, #tpu.memory_space<hbm>>
    %dma_wait3A_357 = arith.constant 0 : i32
    %dma_wait3A_358 = tpu.memref_slice %arg4[%add3A_268, %dma_wait3A_357] : memref<8192x768xf32, #tpu.memory_space<hbm>> -> memref<32x768xf32, #tpu.memory_space<hbm>>
    tpu.wait_dma2 semaphore(%arg20 : memref<!tpu.dma_semaphore, #tpu.memory_space<semaphore_mem>>) src(%arg10 : memref<32x768xf32, #tpu.memory_space<vmem>>) dst(%dma_wait3A_358 : memref<32x768xf32, #tpu.memory_space<hbm>>)
    %dma_wait3A_359 = arith.constant 0 : i32
    %dma_wait3A_360 = tpu.memref_slice %arg4[%add3A_310, %dma_wait3A_359] : memref<8192x768xf32, #tpu.memory_space<hbm>> -> memref<32x768xf32, #tpu.memory_space<hbm>>
    %dma_wait3A_361 = arith.constant 0 : i32
    %dma_wait3A_362 = tpu.memref_slice %arg4[%add3A_310, %dma_wait3A_361] : memref<8192x768xf32, #tpu.memory_space<hbm>> -> memref<32x768xf32, #tpu.memory_space<hbm>>
    tpu.wait_dma2 semaphore(%arg16 : memref<!tpu.dma_semaphore, #tpu.memory_space<semaphore_mem>>) src(%arg6 : memref<32x768xf32, #tpu.memory_space<vmem>>) dst(%dma_wait3A_362 : memref<32x768xf32, #tpu.memory_space<hbm>>)
    %dma_wait3A_363 = arith.constant 0 : i32
    %dma_wait3A_364 = tpu.memref_slice %arg4[%add3A_328, %dma_wait3A_363] : memref<8192x768xf32, #tpu.memory_space<hbm>> -> memref<32x768xf32, #tpu.memory_space<hbm>>
    %dma_wait3A_365 = arith.constant 0 : i32
    %dma_wait3A_366 = tpu.memref_slice %arg4[%add3A_328, %dma_wait3A_365] : memref<8192x768xf32, #tpu.memory_space<hbm>> -> memref<32x768xf32, #tpu.memory_space<hbm>>
    tpu.wait_dma2 semaphore(%arg17 : memref<!tpu.dma_semaphore, #tpu.memory_space<semaphore_mem>>) src(%arg7 : memref<32x768xf32, #tpu.memory_space<vmem>>) dst(%dma_wait3A_366 : memref<32x768xf32, #tpu.memory_space<hbm>>)
    %dma_wait3A_367 = arith.constant 0 : i32
    %dma_wait3A_368 = tpu.memref_slice %arg4[%add3A_346, %dma_wait3A_367] : memref<8192x768xf32, #tpu.memory_space<hbm>> -> memref<32x768xf32, #tpu.memory_space<hbm>>
    %dma_wait3A_369 = arith.constant 0 : i32
    %dma_wait3A_370 = tpu.memref_slice %arg4[%add3A_346, %dma_wait3A_369] : memref<8192x768xf32, #tpu.memory_space<hbm>> -> memref<32x768xf32, #tpu.memory_space<hbm>>
    tpu.wait_dma2 semaphore(%arg18 : memref<!tpu.dma_semaphore, #tpu.memory_space<semaphore_mem>>) src(%arg8 : memref<32x768xf32, #tpu.memory_space<vmem>>) dst(%dma_wait3A_370 : memref<32x768xf32, #tpu.memory_space<hbm>>)
    return
  }
}

module attributes {stable_mosaic.version = 14 : i64} {
  func.func @_pos_body(%arg0: i32, %arg1: memref<2050x768xf32, #tpu.memory_space<vmem>>, %arg2: memref<1x2048x768xf32, #tpu.memory_space<vmem>>, %arg3: memref<4x2048xf32, #tpu.memory_space<vmem>>) attributes {dimension_semantics = [#tpu.dimension_semantics<arbitrary>], iteration_bounds = array<i64: 4>, scalar_prefetch = 0 : i64, scratch_operands = 0 : i64, tpu.core_type = #tpu.core_type<tc>, window_params = [{pipeline_mode = #tpu.pipeline_mode<synchronous>, transform_indices = @transform_0, window_bounds = array<i64: 2050, 768>}, {transform_indices = @transform_1, window_bounds = array<i64: 1, 2048, 768>}, {pipeline_mode = #tpu.pipeline_mode<synchronous>, transform_indices = @transform_2, window_bounds = array<i64: 4, 2048>}]} {
    %get3A = arith.constant 2 : index
    %get3A_0 = arith.constant 0 : index
    %get3A_1 = vector.load %arg1[%get3A, %get3A_0] : memref<2050x768xf32, #tpu.memory_space<vmem>>, vector<2048x768xf32>
    %swap3A = arith.constant 0 : index
    %swap3A_2 = arith.constant 0 : index
    %swap3A_3 = arith.constant 0 : index
    %swap3A_4 = vector.load %arg2[%swap3A, %swap3A_2, %swap3A_3] : memref<1x2048x768xf32, #tpu.memory_space<vmem>>, vector<1x2048x768xf32>
    %swap3A_5 = vector.shape_cast %swap3A_4 : vector<1x2048x768xf32> to vector<2048x768xf32>
    %swap3A_6 = vector.shape_cast %get3A_1 : vector<2048x768xf32> to vector<1x2048x768xf32>
    tpu.vector_store %arg2[%swap3A, %swap3A_2, %swap3A_3], %swap3A_6 {strides = array<i32>} : memref<1x2048x768xf32, #tpu.memory_space<vmem>>, vector<1x2048x768xf32>,
    %eq3A = arith.constant 0 : i32
    %eq3A_7 = arith.cmpi eq, %arg0, %eq3A : i32
    %convert_element_type3A = arith.extui %eq3A_7 : i1 to i32
    %cond3A = arith.constant 0 : i32
    %cond3A_8 = arith.cmpi ne, %convert_element_type3A, %cond3A : i32
    scf.if %cond3A_8 {
      %broadcast_in_dim3A = arith.constant 1.000000e+00 : f32
      %broadcast_in_dim3A_9 = vector.broadcast %broadcast_in_dim3A : f32 to vector<4x2048xf32>
      %swap3A_10 = arith.constant 0 : index
      %swap3A_11 = arith.constant 0 : index
      %swap3A_12 = vector.load %arg3[%swap3A_10, %swap3A_11] : memref<4x2048xf32, #tpu.memory_space<vmem>>, vector<4x2048xf32>
      tpu.vector_store %arg3[%swap3A_10, %swap3A_11], %broadcast_in_dim3A_9 {strides = array<i32>} : memref<4x2048xf32, #tpu.memory_space<vmem>>, vector<4x2048xf32>,
    } else {
    }
    return
  }
  func.func @transform_0(%arg0: i32) -> (i32, i32) {
    %c0_i32 = arith.constant 0 : i32
    %c0_i32_0 = arith.constant 0 : i32
    %c0_i32_1 = arith.constant 0 : i32
    return %c0_i32, %c0_i32_0 : i32, i32
  }
  func.func @transform_1(%arg0: i32) -> (i32, i32, i32) {
    %c0_i32 = arith.constant 0 : i32
    %c0_i32_0 = arith.constant 0 : i32
    %c0_i32_1 = arith.constant 0 : i32
    return %arg0, %c0_i32, %c0_i32_0 : i32, i32, i32
  }
  func.func @transform_2(%arg0: i32) -> (i32, i32) {
    %c0_i32 = arith.constant 0 : i32
    %c0_i32_0 = arith.constant 0 : i32
    %c0_i32_1 = arith.constant 0 : i32
    return %c0_i32, %c0_i32_0 : i32, i32
  }
}

</mosaic_0001>

<sc_bundles>
// kernel: kernel.4.cloned.1.call-start
scs
__scs_entry_jumppad:
0x0: {  	(pc) =	sbr.rel $0x88, $3  }
0x1: {  	(tag) =	ssettag $0x0;
	lr =	simm.s32 $0x1  }
0x2: {  	[smem:$0x3F9E] =	sst lr;
	_ =	strace $0xD0000000  }
0x3: {  	_ = 	snop  }
0x4: {  	_ = 	snop  }
0x5: {  	_ = 	snop  }
0x6: {  	_ = 	snop  }
0x7: {  	_ = 	snop  }
__scs_overlays_trampoline_lowered:
0x8: {  	[smem:$0x3FAD] =	sst s0  }
0x9: {  	[smem:$0x3FAE] =	sst s1  }
0xa: {  	[smem:$0x3FAF] =	sst s2  }
0xb: {  	[smem:$0x3FB0] =	sst s3  }
0xc: {  	[smem:$0x3FB1] =	sst s4  }
0xd: {  	[smem:$0x3FB2] =	sst s5  }
0xe: {  	[smem:$0x3FB3] =	sst s6  }
0xf: {  	[smem:$0x3FB4] =	sst s7  }
0x10: {  	[smem:$0x3FB5] =	sst s8  }
0x11: {  	[smem:$0x3FB6] =	sst s9;
	s0 =	simm.s32 @!p0 $0x0  }
0x12: {  	s1 =	sld [smem:$0x3F9C];
	s0 =	simm.s32 @p0 $0x1  }
0x13: {  	[smem:$0x3FB7] =	sst s0;
	s0 =	simm.s32 @!p1 $0x0  }
0x14: {  	s2 =	sld [smem:$0x3F9B];
	s0 =	simm.s32 @p1 $0x1  }
0x15: {  	[smem:$0x3FB8] =	sst s0;
	s0 =	simm.s32 @!p2 $0x0  }
0x16: {  	s3 =	sld [smem:$0x3FDB];
	s0 =	simm.s32 @p2 $0x1  }
0x17: {  	s4 =	simm.s32 $0x1BF5;
	[smem:$0x3FBA] =	sst s0  }
0x18: {  	s0 =	sld [smem:$0x3F9D];
	_ =	swait.ge [sflag:s4], $0x0  }
0x19: {  	s7 =	sld [smem:$0x3F9E]  }
0x1a: {  	s8 =	sadd.s32 $0xFFFFE003, lr  }
0x1b: {  	s9 =	sadd.s32 $0xFFFFFEF7, lr;
	s5 =	simm.s32 $0xFFFFFFFF;
	p2 =	slt.u32 s8, $0xFFFFF086  }
0x1c: {  	p1 =	slt.u32 s9, $0xF7A;
	s5 =	simm.s32 @!p2 $0x0  }
0x1d: {  	s5 =	simm.s32 @p1 $0x1;
	p0 =	seq.s32 s7, s2  }
0x1e: {  	s7 =	smul.u32 @!p0 $0xF7A, s2;
	p2 =	seq.s32 @!p0 s5, $0x0  }
0x1f: {  	s9 =	smul.u32 $0xF7A, s1;
	s8 =	simm.s32 @!p0 $0x1BF5;
	p2 =	por !p2, p0  }
0x20: {  	[sflag:s8] =	ssyncset.s32 @!p0 $0xFFFFF086;
	s6 =	sadd.s32 @!p0 s3, s7;
	s7 =	simm.s32 @!p0 $0x108  }
0x21: {  	s3 =	sadd.s32 s3, s9;
	s6 =	sadd.s32 @!p0 $0x88, s6;
	s7 =	simm.s32 @p2 $0x1082  }
0x22: {  	[simem:s7], [sflag:s8] =	dma.local @!p0 [hbm:s6], $0xF7A  }
0x23: {  	s9 =	sor.u32 $0xD0000000, s2;
	s6 =	simm.s32 $0x108;
	_ =	swait.ge @!p0 [sflag:s8], $0x0  }
0x24: {  	s3 =	sadd.s32 $0x88, s3;
	s6 =	simm.s32 @!p1 $0x1082;
	[sflag:s4] =	ssyncset.s32 $0xFFFFF086  }
0x25: {  	[simem:s6], [sflag:s4] =	dma.local [hbm:s3], $0xF7A  }
0x26: {  	[smem:$0x3F9E] =	sst s1;
	(tag) =	ssettag s2;
	_ =	strace s9  }
0x27: {  	s1 =	sld [smem:$0x3FAE]  }
0x28: {  	s2 =	sld [smem:$0x3FAF]  }
0x29: {  	s4 =	sld [smem:$0x3FB1]  }
0x2a: {  	p0 =	seq.s32 s5, $0x0;
	s5 =	sld [smem:$0x3FB2]  }
0x2b: {  	s6 =	sld [smem:$0x3FB3]  }
0x2c: {  	s7 =	sld [smem:$0x3FB4]  }
0x2d: {  	s3 =	simm.s32 $0x108;
	s8 =	sld [smem:$0x3FB5]  }
0x2e: {  	s3 =	simm.s32 @!p0 $0x1082;
	s9 =	sld [smem:$0x3FB6]  }
0x2f: {  	lr =	sadd.s32 s0, s3;
	s0 =	sld [smem:$0x3FAD]  }
0x30: {  	s3 =	sld [smem:$0x3FB0]  }
0x31: {  	[smem:$0x3FB9] =	sst s10  }
0x32: {  	s10 =	sld [smem:$0x3FB7];
	_ =	sdelay $0x3  }
0x33: {  	p0 =	seq.s32 s10, $0x1;
	s10 =	sld [smem:$0x3FB9];
	_ =	sdelay $0x3  }
0x34: {  	[smem:$0x3FB9] =	sst s10  }
0x35: {  	s10 =	sld [smem:$0x3FB8];
	_ =	sdelay $0x3  }
0x36: {  	p1 =	seq.s32 s10, $0x1;
	s10 =	sld [smem:$0x3FB9];
	_ =	sdelay $0x3  }
0x37: {  	[smem:$0x3FB9] =	sst s10  }
0x38: {  	s10 =	sld [smem:$0x3FBA]  }
0x39: {  	_ = 	snop;
	(pc) =	sbr.ind lr, $3  }
0x3a: {  	_ = 	snop  }
0x3b: {  	_ = 	snop  }
0x3c: {  	p2 =	seq.s32 s10, $0x1;
	s10 =	sld [smem:$0x3FB9]  }
0x3d: {  	_ =	shalt  }
0x3e: {  	_ =	shalt  }
0x3f: {  	_ =	shalt  }
0x40: {  	_ =	shalt  }
0x41: {  	_ =	shalt  }
0x42: {  	_ =	shalt  }
0x43: {  	_ =	shalt  }
0x44: {  	_ =	shalt  }
0x45: {  	_ =	shalt  }
0x46: {  	_ =	shalt  }
0x47: {  	_ =	shalt  }
0x48: {  	_ =	shalt  }
0x49: {  	_ =	shalt  }
0x4a: {  	_ =	shalt  }
0x4b: {  	_ =	shalt  }
0x4c: {  	_ =	shalt  }
0x4d: {  	_ =	shalt  }
0x4e: {  	_ =	shalt  }
0x4f: {  	_ =	shalt  }
0x50: {  	_ =	shalt  }
0x51: {  	_ =	shalt  }
0x52: {  	_ =	shalt  }
0x53: {  	_ =	shalt  }
0x54: {  	_ =	shalt  }
0x55: {  	_ =	shalt  }
0x56: {  	_ =	shalt  }
0x57: {  	_ =	shalt  }
0x58: {  	_ =	shalt  }
0x59: {  	_ =	shalt  }
0x5a: {  	_ =	shalt  }
0x5b: {  	_ =	shalt  }
0x5c: {  	_ =	shalt  }
0x5d: {  	_ =	shalt  }
0x5e: {  	_ =	shalt  }
0x5f: {  	_ =	shalt  }
0x60: {  	_ =	shalt  }
0x61: {  	_ =	shalt  }
0x62: {  	_ =	shalt  }
0x63: {  	_ =	shalt  }
0x64: {  	_ =	shalt  }
0x65: {  	_ =	shalt  }
0x66: {  	_ =	shalt  }
0x67: {  	_ =	shalt  }
0x68: {  	_ =	shalt  }
0x69: {  	_ =	shalt  }
0x6a: {  	_ =	shalt  }
0x6b: {  	_ =	shalt  }
0x6c: {  	_ =	shalt  }
0x6d: {  	_ =	shalt  }
0x6e: {  	_ =	shalt  }
0x6f: {  	_ =	shalt  }
0x70: {  	_ =	shalt  }
0x71: {  	_ =	shalt  }
0x72: {  	_ =	shalt  }
0x73: {  	_ =	shalt  }
0x74: {  	_ =	shalt  }
0x75: {  	_ =	shalt  }
0x76: {  	_ =	shalt  }
0x77: {  	_ =	shalt  }
0x78: {  	_ =	shalt  }
0x79: {  	_ =	shalt  }
0x7a: {  	_ =	shalt  }
0x7b: {  	_ =	shalt  }
0x7c: {  	_ =	shalt  }
0x7d: {  	_ =	shalt  }
0x7e: {  	_ =	shalt  }
0x7f: {  	_ =	shalt  }
0x80: {  	_ =	shalt  }
0x81: {  	_ =	shalt  }
0x82: {  	_ =	shalt  }
0x83: {  	_ =	shalt  }
0x84: {  	_ =	shalt  }
0x85: {  	_ =	shalt  }
0x86: {  	_ =	shalt  }
0x87: {  	_ =	shalt  }
.Lfunc_end0:
.L_simem_size_0:
called_computation_lowered:
.L_overlay_start_0:
0x88: {  	s2 =	sld [smem:$0x3FD9]  }
0x89: {  	s3 =	sld [smem:$0x3FFE];
	_ =	sdelay $0x1  }
0x8a: {  	s1 =	srdreg.scid  }
0x8b: {  	s0 =	sand.u32 $0x1, s1  }
0x8c: {  	s15 =	sshll.u32 s0, $0xA;
	s2 =	sadd.s32 s3, s2  }
0x8d: {  	s2 =	sadd.s32 s2, s15  }
0x8e: {  	[smem:$0x3FC5] =	sst s2  }
0x8f: {  	_ = 	snop  }
0x90: {  	s2 =	sld [smem:$0x3FD0];
	_ =	sdelay $0x1  }
0x91: {  	s16 =	sld [smem:$0x3FC9]  }
0x92: {  	s5 =	simm.s32 $0xA;
	s6 =	simm.s32 $0x10;
	s4 =	sld [smem:$0x3FC8]  }
0x93: {  	[smem:s6], [sflag:s5] =	dma.local [hbm:s2], $0x1  }
0x94: {  	_ =	swait.eq [sflag:s5], $0x1  }
0x95: {  	[sflag:s5] =	ssyncset.done $0x0  }
0x96: {  	[sflag:s5] =	ssyncadd.s32 $0xFFFFFFFF  }
0x97: {  	s17 =	sld [smem:$0x10];
	(tm) =	ssettm $0x1  }
0x98: {  	s18 =	sld [smem:$0x3FFB];
	_ =	sdelay $0x3  }
0x99: {  	_ =	strace s18  }
0x9a: {  	s5 =	sld [smem:$0x3FFC];
	_ =	sdelay $0x3  }
0x9b: {  	_ =	strace s5  }
0x9c: {  	s5 =	sld [smem:$0x3FFD];
	_ =	sdelay $0x3  }
0x9d: {  	_ =	strace s5  }
0x9e: {  	_ =	strace $0x8FFFFFFF  }
0x9f: {  	s19 =	sld [smem:$0x3FDB];
	_ =	sdelay $0x1  }
0xa0: {  	s20 =	simm.s32 $_scs_section_size  }
0xa1: {  	s7 =	simm.s32 $_size__tile_overlayer_lowered;
	s8 =	simm.s32 $_tile_overlayer_lowered  }
0xa2: {  	s23 =	simm.s32 $0x1BFF;
	s22 =	sshll.u32 s8, $0x1;
	s5 =	sadd.s32 s20, s19  }
0xa3: {  	s9 =	simm.s32 $0x0;
	s21 =	sshll.u32 s7, $0x1;
	s7 =	sadd.s32 s22, s5  }
0xa4: {  	[timem:s9], [sflag:s23] =	dma.local [hbm:s7], s21  }
0xa5: {  	_ =	swait.ge [sflag:s23], s21  }
0xa6: {  	s6 =	ssub.s32 $0x0, s21;
	[sflag:s23] =	ssyncset.done $0x0  }
0xa7: {  	[sflag:s23] =	ssyncadd.s32 s6;
	_ =	sdelay $0x1  }
0xa8: {  	s24 =	simm.s32 $0x1B8B  }
0xa9: {  	_ =	swait.ge [sflag:s24], $0x1  }
0xaa: {  	[sflag:s24] =	ssyncset.done $0x0  }
0xab: {  	s25 =	simm.s32 $0x1B8E;
	[sflag:s24] =	ssyncadd.s32 $0xFFFFFFFF  }
0xac: {  	s26 =	simm.s32 $execute0_lowered;
	[smem:$0x3FD2] =	sst s25  }
0xad: {  	s6 =	sshll.u32 s26, $0x1;
	_ =	strace $0x80000046;
	[dreg:$0x1] =	wrdreg $0xFFFFFFFF  }
0xae: {  	s28 =	simm.s32 $_size_execute0_lowered;
	s5 =	sadd.s32 s5, s6;
	[dreg:$0x0] =	wrdreg $0x0  }
0xaf: {  	s6 =	sshll.u32 s28, $0x1;
	[dreg:$0x2] =	wrdreg s5  }
0xb0: {  	[dreg:$0x3] =	wrdreg s6  }
0xb1: {  	[dreg:$0x4] =	wrdreg $0xC0  }
0xb2: {  	_ =	task [dreg:s9], $0x5FFFF  }
0xb3: {  	[dreg:$0x1] =	wrdreg $0xFFFFFFFF  }
0xb4: {  	[dreg:$0x0] =	wrdreg $0x60  }
0xb5: {  	[dreg:$0x2] =	wrdreg s16  }
0xb6: {  	[dreg:$0x3] =	wrdreg s4  }
0xb7: {  	[dreg:$0x4] =	wrdreg s17  }
0xb8: {  	[dreg:$0x5] =	wrdreg $0x9  }
0xb9: {  	_ =	task.clear_ibuf [dreg:s9], $0x6FFFF;
	_ =	strace $0x90000046  }
0xba: {  	s29 =	simm.s32 $0x9;
	_ =	strace $0x80000048  }
0xbb: {  	_ =	swait.ge [sflag:s29], $0x1  }
0xbc: {  	[sflag:s29] =	ssyncadd.s32 $0xFFFFFFFF  }
0xbd: {  	_ =	strace $0x90000048  }
0xbe: {  	_ =	sfence  }
0xbf: {  	s30 =	sld [smem:$0x0];
	_ =	sdelay $0x2  }
0xc0: {  	s31 =	sshll.u32 s1, $0xD;
	s1 =	sshrl.u32 s1, $0x2  }
0xc1: {  	s3 =	sand.u32 $0x4000, s31;
	s1 =	sadd.s32 s1, s30  }
0xc2: {  	s0 =	sor.u32 s3, s0;
	s1 =	sshll.u32 s1, $0x11  }
0xc3: {  	s0 =	sor.u32 s1, s0  }
0xc4: {  	s0 =	sadd.s32 $0x8F2B, s0  }
0xc5: {  	[sflag:s0] =	ssyncadd.remote.s32 $0x1  }
0xc6: {  	_ =	sfence.sel $0xFFFF  }
0xc7: {  	[dreg:$0x0] =	wrdreg $0xFFFFFFFF;
	(pc) =	sbr.abs _section_cstart, $3  }
0xc8: {  	[dreg:$0x1] =	wrdreg $0xFFFFFFFF  }
0xc9: {  	_ =	task.clear_ibuf [dreg:s9], $0x2FFFF;
	_ =	strace $0x9FFFFFFF  }
0xca: {  	(tm) =	ssettm $0x7FFFFFFF  }
0xcb: {  	_ =	shalt  }
tec
execute0_lowered:
.L_overlay_start_1:
0x0: {  	(tag) =	ssettag $0x1  }
0x1: {  	s2 =	stileid.u32  }
0x2: {  	s0 =	srdreg.scid;
	s1 =	sshll.u32 s2, $0x1  }
0x3: {  	s4 =	rddreg [dreg:$0x0];
	s0 =	sand.u32 $0x1, s0;
	s1 =	sand.u32 $0x2, s1  }
0x4: {  	s7 =	rddreg [dreg:$0x2];
	s5 =	sshrl.u32 s2, $0x1;
	s1 =	sor.u32 s0, s1  }
0x5: {  	s2 =	rddreg [dreg:$0x1];
	s6 =	sshll.u32 s5, $0x5;
	s3 =	sshll.u32 s1, $0x8  }
0x6: {  	s5 =	sshll.u32 s5, $0x7;
	s6 =	sor.u32 s6, s3;
	s3 =	simm.s32 $0x0  }
0x7: {  	s4 =	sadd.s32 s4, s5;
	[smem:$0x7FF] =	sst s3  }
0x8: {  	s26 =	simm.s32 $0x12C00;
	_ =	strace $0x80000047;
	[dreg:$0x4] =	wrdreg s4  }
0x9: {  	s9 =	simm.s32 $0x14C00;
	[dreg:$0xd] =	wrdreg s26  }
0xa: {  	s10 =	simm.s32 $0x15400;
	[dreg:$0x11] =	wrdreg s9  }
0xb: {  	s11 =	simm.s32 $0x15C00;
	[dreg:$0x12] =	wrdreg s10  }
0xc: {  	s12 =	simm.s32 $0x16400;
	s13 =	simm.s32 $0x16C00;
	[dreg:$0x13] =	wrdreg s11  }
0xd: {  	s14 =	simm.s32 $0x17400;
	s0 =	ssub.s32 $0x2, s0;
	[dreg:$0x14] =	wrdreg s12  }
0xe: {  	s15 =	simm.s32 $0x17C00;
	s24 =	sshrl.u32 s0, $0x1;
	[dreg:$0x15] =	wrdreg s13  }
0xf: {  	s0 =	ssub.s32 s0, s24;
	s8 =	smul.u32 $0x1800, s6;
	[dreg:$0x16] =	wrdreg s14  }
0x10: {  	s24 =	simm.s32 $0x1CC00;
	s6 =	smul.u32 $0x300, s6;
	[dreg:$0x17] =	wrdreg s15  }
0x11: {  	[smem:$0x7FB] =	sst s24;
	s26 =	simm.s32 $0x1DC00  }
0x12: {  	s17 =	sadd.s32 s7, s6;
	[smem:$0x7FD] =	sst s26  }
0x13: {  	s28 =	simm.s32 $0x3;
	s6 =	simm.s32 $0x13400;
	[dreg:$0x5] =	wrdreg s17  }
0x14: {  	s16 =	sshrl.u32 s8, $0x3;
	s8 =	simm.s32 $0x14400;
	[dreg:$0xe] =	wrdreg s6  }
0x15: {  	s5 =	sadd.s32 s7, s16;
	s7 =	simm.s32 $0x13C00;
	[dreg:$0x10] =	wrdreg s8  }
0x16: {  	s30 =	simm.s32 $0x4;
	s16 =	simm.s32 $0x18C00;
	[dreg:$0xf] =	wrdreg s7  }
0x17: {  	s31 =	simm.s32 $0x7;
	s17 =	simm.s32 $0x19400;
	[dreg:$0x18] =	wrdreg s16  }
0x18: {  	s29 =	simm.s32 $0xC400;
	s18 =	sadd.s32 $0xC00, s5;
	[dreg:$0x19] =	wrdreg s17  }
0x19: {  	s4 =	sshll.u32 s1, $0x7;
	s19 =	sadd.s32 $0x1800, s5;
	[dreg:$0x6] =	wrdreg s18  }
0x1a: {  	s11 =	simm.s32 $0x6;
	s20 =	sadd.s32 $0x2400, s5;
	[dreg:$0x7] =	wrdreg s19  }
0x1b: {  	s1 =	simm.s32 $0x5;
	s21 =	sadd.s32 $0x3000, s5;
	[dreg:$0x8] =	wrdreg s20  }
0x1c: {  	s15 =	simm.s32 $0xC00;
	s22 =	sadd.s32 $0x3C00, s5;
	[dreg:$0x9] =	wrdreg s21  }
0x1d: {  	s24 =	simm.s32 $0x4400;
	s23 =	sadd.s32 $0x4800, s5;
	[dreg:$0xa] =	wrdreg s22  }
0x1e: {  	s10 =	simm.s32 $0x6400;
	s25 =	sadd.s32 $0x5400, s5;
	[dreg:$0xb] =	wrdreg s23  }
0x1f: {  	s12 =	simm.s32 $0x18400;
	[dreg:$0xc] =	wrdreg s25;
	s18 =	simm.s32 $0x19C00  }
0x20: {  	s26 =	simm.s32 $0x4C00;
	s19 =	simm.s32 $0x1A400;
	[dreg:$0x1a] =	wrdreg s18  }
0x21: {  	s6 =	sadd.s32 $0x200, s2;
	s20 =	simm.s32 $0x1AC00;
	[dreg:$0x1b] =	wrdreg s19  }
0x22: {  	s5 =	sadd.s32 $0x100, s2;
	s21 =	simm.s32 $0x1B400;
	[dreg:$0x1c] =	wrdreg s20  }
0x23: {  	s7 =	smax.u32 s0, $0x1;
	s22 =	simm.s32 $0x1BC00;
	[dreg:$0x1d] =	wrdreg s21  }
0x24: {  	s0 =	simm.s32 $0x8;
	s23 =	simm.s32 $0x1C400;
	[dreg:$0x1e] =	wrdreg s22  }
0x25: {  	s16 =	simm.s32 $0x1400;
	s25 =	simm.s32 $0x1D400;
	[dreg:$0x1f] =	wrdreg s23  }
0x26: {  	v2 =	vlaneseq.u32;
	s17 =	simm.s32 $0x1C00;
	[smem:$0x7FC] =	sst s25;
	s23 =	simm.s32 $0x1  }
0x27: {  	vm0 =	vmmov $0xffff;
	v1 =	vshrl.u32 v2, $0x3;
	s25 =	simm.s32 $0x2;
	s21 =	simm.s32 $0x400;
	s18 =	simm.s32 $0x2400  }
0x28: {  	v0 =	vand.u32 $0x7, v2;
	v2 =	vor.u32 $0x8, v2;
	v1 =	vmul.u32 $0x8, v1;
	s19 =	simm.s32 $0x2C00;
	s20 =	simm.s32 $0x3400;
	s22 =	simm.s32 $0x3C00  }
.LBB2_1:
0x29: {  	s13 =	rddreg [dreg:$0x4];
	s8 =	simm.s32 $0xB  }
0x2a: {  	[tilespmem:s3], [sflag:$0xB] =	stream.linear.gather [hbm4b:s13+s3], $0x400, $0x38;
	[tilespmem:$0x1E400] =	vst v63  }
0x2b: {  	_ =	swait.ge [sflag:s8], $0x400  }
0x2c: {  	[sflag:s8] =	ssyncset.done $0x0  }
0x2d: {  	[sflag:s8] =	ssyncadd.s32 $0xFFFFFC00  }
0x2e: {  	v3 =	vld [tilespmem:s4+$0x0];
	_ =	sdelay $0x4  }
0x2f: {  	v4 =	vshrl.u32 v3, $0x3  }
0x30: {  	v4 =	vmul.u32 $0x30, v4  }
0x31: {  	v3 =	vand.u32 $0x7, v3  }
0x32: {  	v3 =	vor.u32 v3, v4  }
0x33: {  	v4 =	vperm.xlane v3, v0;
	_ =	sdelay $0x1  }
0x34: {  	v4 =	vadd.s32 v1, v4;
	_ =	sdelay $0x3  }
0x35: {  	v3 =	vperm.xlane v3, v2  }
0x36: {  	[tilespmem:s21], [sflag:$0x1] =	stream.indirect_vreg.gather [hbm4b:s2+s3], $0x80, v4, vm0, $0xb8;
	[tilespmem:$0x1E400] =	vst v63  }
0x37: {  	v3 =	vadd.s32 v1, v3  }
0x38: {  	[tilespmem:s15], [sflag:$0x1] =	stream.indirect_vreg.gather [hbm4b:s5+s3], $0x80, v4, vm0, $0xb8;
	[tilespmem:$0x1E400] =	vst v63  }
0x39: {  	_ = 	snop  }
0x3a: {  	[tilespmem:s16], [sflag:$0x1] =	stream.indirect_vreg.gather [hbm4b:s6+s3], $0x80, v4, vm0, $0xb8;
	[tilespmem:$0x1E400] =	vst v63  }
0x3b: {  	_ = 	snop  }
0x3c: {  	[tilespmem:s17], [sflag:$0x1] =	stream.indirect_vreg.gather [hbm4b:s2+s3], $0x80, v3, vm0, $0xb8;
	[tilespmem:$0x1E400] =	vst v63  }
0x3d: {  	_ = 	snop  }
0x3e: {  	[tilespmem:s18], [sflag:$0x1] =	stream.indirect_vreg.gather [hbm4b:s5+s3], $0x80, v3, vm0, $0xb8;
	[tilespmem:$0x1E400] =	vst v63  }
0x3f: {  	_ = 	snop  }
0x40: {  	[tilespmem:s19], [sflag:$0x1] =	stream.indirect_vreg.gather [hbm4b:s6+s3], $0x80, v3, vm0, $0xb8;
	[tilespmem:$0x1E400] =	vst v63  }
0x41: {  	v3 =	vld [tilespmem:s4+$0x10];
	_ =	sdelay $0x4  }
0x42: {  	v49 =	vshrl.u32 v3, $0x3  }
0x43: {  	v4 =	vmul.u32 $0x30, v49  }
0x44: {  	v3 =	vand.u32 $0x7, v3  }
0x45: {  	v3 =	vor.u32 v3, v4  }
0x46: {  	v4 =	vperm.xlane v3, v0;
	_ =	sdelay $0x1  }
0x47: {  	v4 =	vadd.s32 v1, v4;
	_ =	sdelay $0x3  }
0x48: {  	v3 =	vperm.xlane v3, v2  }
0x49: {  	[tilespmem:s20], [sflag:$0x1] =	stream.indirect_vreg.gather [hbm4b:s2+s3], $0x80, v4, vm0, $0xb8;
	[tilespmem:$0x1E400] =	vst v63  }
0x4a: {  	v3 =	vadd.s32 v1, v3  }
0x4b: {  	[tilespmem:s22], [sflag:$0x1] =	stream.indirect_vreg.gather [hbm4b:s5+s3], $0x80, v4, vm0, $0xb8;
	[tilespmem:$0x1E400] =	vst v63  }
0x4c: {  	_ = 	snop  }
0x4d: {  	[tilespmem:s24], [sflag:$0x1] =	stream.indirect_vreg.gather [hbm4b:s6+s3], $0x80, v4, vm0, $0xb8;
	[tilespmem:$0x1E400] =	vst v63  }
0x4e: {  	_ = 	snop  }
0x4f: {  	[tilespmem:s26], [sflag:$0x1] =	stream.indirect_vreg.gather [hbm4b:s2+s3], $0x80, v3, vm0, $0xb8;
	[tilespmem:$0x1E400] =	vst v63  }
0x50: {  	s8 =	simm.s32 $0x5400  }
0x51: {  	[tilespmem:s8], [sflag:$0x1] =	stream.indirect_vreg.gather [hbm4b:s5+s3], $0x80, v3, vm0, $0xb8;
	[tilespmem:$0x1E400] =	vst v63  }
0x52: {  	s9 =	simm.s32 $0x5C00  }
0x53: {  	[tilespmem:s9], [sflag:$0x1] =	stream.indirect_vreg.gather [hbm4b:s6+s3], $0x80, v3, vm0, $0xb8;
	[tilespmem:$0x1E400] =	vst v63  }
0x54: {  	v3 =	vld [tilespmem:s4+$0x20];
	_ =	sdelay $0x4  }
0x55: {  	v50 =	vshrl.u32 v3, $0x3  }
0x56: {  	v4 =	vmul.u32 $0x30, v50  }
0x57: {  	v3 =	vand.u32 $0x7, v3  }
0x58: {  	v3 =	vor.u32 v3, v4  }
0x59: {  	v4 =	vperm.xlane v3, v0;
	_ =	sdelay $0x1  }
0x5a: {  	v4 =	vadd.s32 v1, v4;
	_ =	sdelay $0x3  }
0x5b: {  	v3 =	vperm.xlane v3, v2  }
0x5c: {  	[tilespmem:s10], [sflag:$0x2] =	stream.indirect_vreg.gather [hbm4b:s2+s3], $0x80, v4, vm0, $0xb8;
	[tilespmem:$0x1E400] =	vst v63  }
0x5d: {  	s13 =	simm.s32 $0x6C00;
	v3 =	vadd.s32 v1, v3  }
0x5e: {  	[tilespmem:s13], [sflag:$0x2] =	stream.indirect_vreg.gather [hbm4b:s5+s3], $0x80, v4, vm0, $0xb8;
	[tilespmem:$0x1E400] =	vst v63  }
0x5f: {  	s14 =	simm.s32 $0x7400  }
0x60: {  	[tilespmem:s14], [sflag:$0x2] =	stream.indirect_vreg.gather [hbm4b:s6+s3], $0x80, v4, vm0, $0xb8;
	[tilespmem:$0x1E400] =	vst v63  }
0x61: {  	s13 =	simm.s32 $0x7C00  }
0x62: {  	[tilespmem:s13], [sflag:$0x2] =	stream.indirect_vreg.gather [hbm4b:s2+s3], $0x80, v3, vm0, $0xb8;
	[tilespmem:$0x1E400] =	vst v63  }
0x63: {  	s14 =	simm.s32 $0x8400  }
0x64: {  	[tilespmem:s14], [sflag:$0x2] =	stream.indirect_vreg.gather [hbm4b:s5+s3], $0x80, v3, vm0, $0xb8;
	[tilespmem:$0x1E400] =	vst v63  }
0x65: {  	s13 =	simm.s32 $0x8C00  }
0x66: {  	[tilespmem:s13], [sflag:$0x2] =	stream.indirect_vreg.gather [hbm4b:s6+s3], $0x80, v3, vm0, $0xb8;
	[tilespmem:$0x1E400] =	vst v63  }
0x67: {  	v3 =	vld [tilespmem:s4+$0x30];
	_ =	sdelay $0x4  }
0x68: {  	v51 =	vshrl.u32 v3, $0x3  }
0x69: {  	v4 =	vmul.u32 $0x30, v51  }
0x6a: {  	v3 =	vand.u32 $0x7, v3  }
0x6b: {  	v3 =	vor.u32 v3, v4  }
0x6c: {  	v4 =	vperm.xlane v3, v0;
	_ =	sdelay $0x1  }
0x6d: {  	v4 =	vadd.s32 v1, v4;
	_ =	sdelay $0x3  }
0x6e: {  	s14 =	simm.s32 $0x9400;
	v3 =	vperm.xlane v3, v2  }
0x6f: {  	[tilespmem:s14], [sflag:$0x2] =	stream.indirect_vreg.gather [hbm4b:s2+s3], $0x80, v4, vm0, $0xb8;
	[tilespmem:$0x1E400] =	vst v63  }
0x70: {  	s13 =	simm.s32 $0x9C00;
	v3 =	vadd.s32 v1, v3  }
0x71: {  	[tilespmem:s13], [sflag:$0x2] =	stream.indirect_vreg.gather [hbm4b:s5+s3], $0x80, v4, vm0, $0xb8;
	[tilespmem:$0x1E400] =	vst v63  }
0x72: {  	s14 =	simm.s32 $0xA400  }
0x73: {  	[tilespmem:s14], [sflag:$0x2] =	stream.indirect_vreg.gather [hbm4b:s6+s3], $0x80, v4, vm0, $0xb8;
	[tilespmem:$0x1E400] =	vst v63  }
0x74: {  	s13 =	simm.s32 $0xAC00  }
0x75: {  	[tilespmem:s13], [sflag:$0x2] =	stream.indirect_vreg.gather [hbm4b:s2+s3], $0x80, v3, vm0, $0xb8;
	[tilespmem:$0x1E400] =	vst v63  }
0x76: {  	s14 =	simm.s32 $0xB400  }
0x77: {  	[tilespmem:s14], [sflag:$0x2] =	stream.indirect_vreg.gather [hbm4b:s5+s3], $0x80, v3, vm0, $0xb8;
	[tilespmem:$0x1E400] =	vst v63  }
0x78: {  	s13 =	simm.s32 $0xBC00  }
0x79: {  	[tilespmem:s13], [sflag:$0x2] =	stream.indirect_vreg.gather [hbm4b:s6+s3], $0x80, v3, vm0, $0xb8;
	[tilespmem:$0x1E400] =	vst v63  }
0x7a: {  	v3 =	vld [tilespmem:s4+$0x40];
	_ =	sdelay $0x4  }
0x7b: {  	v52 =	vshrl.u32 v3, $0x3  }
0x7c: {  	v4 =	vmul.u32 $0x30, v52  }
0x7d: {  	v3 =	vand.u32 $0x7, v3  }
0x7e: {  	v3 =	vor.u32 v3, v4  }
0x7f: {  	v4 =	vperm.xlane v3, v0;
	_ =	sdelay $0x1  }
0x80: {  	v4 =	vadd.s32 v1, v4;
	_ =	sdelay $0x3  }
0x81: {  	v3 =	vperm.xlane v3, v2  }
0x82: {  	[tilespmem:s29], [sflag:$0x3] =	stream.indirect_vreg.gather [hbm4b:s2+s3], $0x80, v4, vm0, $0xb8;
	[tilespmem:$0x1E400] =	vst v63  }
0x83: {  	s14 =	simm.s32 $0xCC00;
	v3 =	vadd.s32 v1, v3  }
0x84: {  	[tilespmem:s14], [sflag:$0x3] =	stream.indirect_vreg.gather [hbm4b:s5+s3], $0x80, v4, vm0, $0xb8;
	[tilespmem:$0x1E400] =	vst v63  }
0x85: {  	s13 =	simm.s32 $0xD400  }
0x86: {  	[tilespmem:s13], [sflag:$0x3] =	stream.indirect_vreg.gather [hbm4b:s6+s3], $0x80, v4, vm0, $0xb8;
	[tilespmem:$0x1E400] =	vst v63  }
0x87: {  	s14 =	simm.s32 $0xDC00  }
0x88: {  	[tilespmem:s14], [sflag:$0x3] =	stream.indirect_vreg.gather [hbm4b:s2+s3], $0x80, v3, vm0, $0xb8;
	[tilespmem:$0x1E400] =	vst v63  }
0x89: {  	s13 =	simm.s32 $0xE400  }
0x8a: {  	[tilespmem:s13], [sflag:$0x3] =	stream.indirect_vreg.gather [hbm4b:s5+s3], $0x80, v3, vm0, $0xb8;
	[tilespmem:$0x1E400] =	vst v63  }
0x8b: {  	s14 =	simm.s32 $0xEC00  }
0x8c: {  	[tilespmem:s14], [sflag:$0x3] =	stream.indirect_vreg.gather [hbm4b:s6+s3], $0x80, v3, vm0, $0xb8;
	[tilespmem:$0x1E400] =	vst v63  }
0x8d: {  	v3 =	vld [tilespmem:s4+$0x50];
	_ =	sdelay $0x4  }
0x8e: {  	v53 =	vshrl.u32 v3, $0x3  }
0x8f: {  	v4 =	vmul.u32 $0x30, v53  }
0x90: {  	v3 =	vand.u32 $0x7, v3  }
0x91: {  	v3 =	vor.u32 v3, v4  }
0x92: {  	v4 =	vperm.xlane v3, v0;
	_ =	sdelay $0x1  }
0x93: {  	v4 =	vadd.s32 v1, v4;
	_ =	sdelay $0x3  }
0x94: {  	s13 =	simm.s32 $0xF400;
	v3 =	vperm.xlane v3, v2  }
0x95: {  	[tilespmem:s13], [sflag:$0x3] =	stream.indirect_vreg.gather [hbm4b:s2+s3], $0x80, v4, vm0, $0xb8;
	[tilespmem:$0x1E400] =	vst v63  }
0x96: {  	s14 =	simm.s32 $0xFC00;
	v3 =	vadd.s32 v1, v3  }
0x97: {  	[tilespmem:s14], [sflag:$0x3] =	stream.indirect_vreg.gather [hbm4b:s5+s3], $0x80, v4, vm0, $0xb8;
	[tilespmem:$0x1E400] =	vst v63  }
0x98: {  	s13 =	simm.s32 $0x10400  }
0x99: {  	[tilespmem:s13], [sflag:$0x3] =	stream.indirect_vreg.gather [hbm4b:s6+s3], $0x80, v4, vm0, $0xb8;
	[tilespmem:$0x1E400] =	vst v63  }
0x9a: {  	s14 =	simm.s32 $0x10C00  }
0x9b: {  	[tilespmem:s14], [sflag:$0x3] =	stream.indirect_vreg.gather [hbm4b:s2+s3], $0x80, v3, vm0, $0xb8;
	[tilespmem:$0x1E400] =	vst v63  }
0x9c: {  	s13 =	simm.s32 $0x11400  }
0x9d: {  	[tilespmem:s13], [sflag:$0x3] =	stream.indirect_vreg.gather [hbm4b:s5+s3], $0x80, v3, vm0, $0xb8;
	[tilespmem:$0x1E400] =	vst v63  }
0x9e: {  	s14 =	simm.s32 $0x11C00  }
0x9f: {  	[tilespmem:s14], [sflag:$0x3] =	stream.indirect_vreg.gather [hbm4b:s6+s3], $0x80, v3, vm0, $0xb8;
	[tilespmem:$0x1E400] =	vst v63  }
0xa0: {  	_ =	swait.ge [sflag:s23], $0x3000  }
0xa1: {  	[sflag:s23] =	ssyncset.done $0x0  }
0xa2: {  	[sflag:s23] =	ssyncadd.s32 $0xFFFFD000  }
0xa3: {  	_ =	swait.ge [sflag:s23], $0x3000  }
0xa4: {  	[sflag:s23] =	ssyncset.done $0x0  }
0xa5: {  	s9 =	rddreg [dreg:$0x5];
	[sflag:s23] =	ssyncadd.s32 $0xFFFFD000  }
0xa6: {  	[hbm4b:s9+s3] =	stream.linear.scatter [tilespmem:s21], [sflag:$0x6], $0x6000, $0x38;
	[tilespmem:$0x1E400] =	vst v63  }
0xa7: {  	v3 =	vld [tilespmem:s4+$0x60];
	_ =	sdelay $0x4  }
0xa8: {  	v54 =	vshrl.u32 v3, $0x3  }
0xa9: {  	v4 =	vmul.u32 $0x30, v54  }
0xaa: {  	v3 =	vand.u32 $0x7, v3  }
0xab: {  	v3 =	vor.u32 v3, v4  }
0xac: {  	v4 =	vperm.xlane v3, v0;
	_ =	sdelay $0x1  }
0xad: {  	v4 =	vadd.s32 v1, v4;
	_ =	sdelay $0x3  }
0xae: {  	s9 =	simm.s32 $0x12400;
	v3 =	vperm.xlane v3, v2  }
0xaf: {  	[tilespmem:s9], [sflag:$0x4] =	stream.indirect_vreg.gather [hbm4b:s2+s3], $0x80, v4, vm0, $0xb8;
	[tilespmem:$0x1E400] =	vst v63  }
0xb0: {  	s13 =	rddreg [dreg:$0xd];
	v3 =	vadd.s32 v1, v3  }
0xb1: {  	[tilespmem:s13], [sflag:$0x4] =	stream.indirect_vreg.gather [hbm4b:s5+s3], $0x80, v4, vm0, $0xb8;
	[tilespmem:$0x1E400] =	vst v63  }
0xb2: {  	s14 =	rddreg [dreg:$0xe]  }
0xb3: {  	[tilespmem:s14], [sflag:$0x4] =	stream.indirect_vreg.gather [hbm4b:s6+s3], $0x80, v4, vm0, $0xb8;
	[tilespmem:$0x1E400] =	vst v63  }
0xb4: {  	s13 =	rddreg [dreg:$0xf]  }
0xb5: {  	[tilespmem:s13], [sflag:$0x4] =	stream.indirect_vreg.gather [hbm4b:s2+s3], $0x80, v3, vm0, $0xb8;
	[tilespmem:$0x1E400] =	vst v63  }
0xb6: {  	s14 =	rddreg [dreg:$0x10]  }
0xb7: {  	[tilespmem:s14], [sflag:$0x4] =	stream.indirect_vreg.gather [hbm4b:s5+s3], $0x80, v3, vm0, $0xb8;
	[tilespmem:$0x1E400] =	vst v63  }
0xb8: {  	s13 =	rddreg [dreg:$0x11]  }
0xb9: {  	[tilespmem:s13], [sflag:$0x4] =	stream.indirect_vreg.gather [hbm4b:s6+s3], $0x80, v3, vm0, $0xb8;
	[tilespmem:$0x1E400] =	vst v63  }
0xba: {  	v3 =	vld [tilespmem:s4+$0x70];
	_ =	sdelay $0x4  }
0xbb: {  	v55 =	vshrl.u32 v3, $0x3  }
0xbc: {  	v4 =	vmul.u32 $0x30, v55  }
0xbd: {  	v3 =	vand.u32 $0x7, v3  }
0xbe: {  	v3 =	vor.u32 v3, v4  }
0xbf: {  	v4 =	vperm.xlane v3, v0;
	_ =	sdelay $0x1  }
0xc0: {  	v4 =	vadd.s32 v1, v4;
	_ =	sdelay $0x3  }
0xc1: {  	s13 =	rddreg [dreg:$0x12];
	v3 =	vperm.xlane v3, v2  }
0xc2: {  	[tilespmem:s13], [sflag:$0x4] =	stream.indirect_vreg.gather [hbm4b:s2+s3], $0x80, v4, vm0, $0xb8;
	[tilespmem:$0x1E400] =	vst v63  }
0xc3: {  	s14 =	rddreg [dreg:$0x13];
	v3 =	vadd.s32 v1, v3  }
0xc4: {  	[tilespmem:s14], [sflag:$0x4] =	stream.indirect_vreg.gather [hbm4b:s5+s3], $0x80, v4, vm0, $0xb8;
	[tilespmem:$0x1E400] =	vst v63  }
0xc5: {  	s13 =	rddreg [dreg:$0x14]  }
0xc6: {  	[tilespmem:s13], [sflag:$0x4] =	stream.indirect_vreg.gather [hbm4b:s6+s3], $0x80, v4, vm0, $0xb8;
	[tilespmem:$0x1E400] =	vst v63  }
0xc7: {  	s14 =	rddreg [dreg:$0x15]  }
0xc8: {  	[tilespmem:s14], [sflag:$0x4] =	stream.indirect_vreg.gather [hbm4b:s2+s3], $0x80, v3, vm0, $0xb8;
	[tilespmem:$0x1E400] =	vst v63  }
0xc9: {  	s13 =	rddreg [dreg:$0x16]  }
0xca: {  	[tilespmem:s13], [sflag:$0x4] =	stream.indirect_vreg.gather [hbm4b:s5+s3], $0x80, v3, vm0, $0xb8;
	[tilespmem:$0x1E400] =	vst v63  }
0xcb: {  	s14 =	rddreg [dreg:$0x17]  }
0xcc: {  	[tilespmem:s14], [sflag:$0x4] =	stream.indirect_vreg.gather [hbm4b:s6+s3], $0x80, v3, vm0, $0xb8;
	[tilespmem:$0x1E400] =	vst v63  }
0xcd: {  	_ =	swait.ge [sflag:s25], $0x3000  }
0xce: {  	[sflag:s25] =	ssyncset.done $0x0  }
0xcf: {  	[sflag:s25] =	ssyncadd.s32 $0xFFFFD000  }
0xd0: {  	_ =	swait.ge [sflag:s25], $0x3000  }
0xd1: {  	[sflag:s25] =	ssyncset.done $0x0  }
0xd2: {  	s14 =	rddreg [dreg:$0x6];
	[sflag:s25] =	ssyncadd.s32 $0xFFFFD000  }
0xd3: {  	[hbm4b:s14+s3] =	stream.linear.scatter [tilespmem:s10], [sflag:$0x7], $0x6000, $0x38;
	[tilespmem:$0x1E400] =	vst v63  }
0xd4: {  	v3 =	vld [tilespmem:s4+$0x200];
	_ =	sdelay $0x4  }
0xd5: {  	v56 =	vshrl.u32 v3, $0x3  }
0xd6: {  	v4 =	vmul.u32 $0x30, v56  }
0xd7: {  	v3 =	vand.u32 $0x7, v3  }
0xd8: {  	v3 =	vor.u32 v3, v4  }
0xd9: {  	v4 =	vperm.xlane v3, v0;
	_ =	sdelay $0x1  }
0xda: {  	v4 =	vadd.s32 v1, v4;
	_ =	sdelay $0x3  }
0xdb: {  	v3 =	vperm.xlane v3, v2  }
0xdc: {  	[tilespmem:s12], [sflag:$0x5] =	stream.indirect_vreg.gather [hbm4b:s2+s3], $0x80, v4, vm0, $0xb8;
	[tilespmem:$0x1E400] =	vst v63  }
0xdd: {  	s13 =	rddreg [dreg:$0x18];
	v3 =	vadd.s32 v1, v3  }
0xde: {  	[tilespmem:s13], [sflag:$0x5] =	stream.indirect_vreg.gather [hbm4b:s5+s3], $0x80, v4, vm0, $0xb8;
	[tilespmem:$0x1E400] =	vst v63  }
0xdf: {  	s14 =	rddreg [dreg:$0x19]  }
0xe0: {  	[tilespmem:s14], [sflag:$0x5] =	stream.indirect_vreg.gather [hbm4b:s6+s3], $0x80, v4, vm0, $0xb8;
	[tilespmem:$0x1E400] =	vst v63  }
0xe1: {  	s13 =	rddreg [dreg:$0x1a]  }
0xe2: {  	[tilespmem:s13], [sflag:$0x5] =	stream.indirect_vreg.gather [hbm4b:s2+s3], $0x80, v3, vm0, $0xb8;
	[tilespmem:$0x1E400] =	vst v63  }
0xe3: {  	s14 =	rddreg [dreg:$0x1b]  }
0xe4: {  	[tilespmem:s14], [sflag:$0x5] =	stream.indirect_vreg.gather [hbm4b:s5+s3], $0x80, v3, vm0, $0xb8;
	[tilespmem:$0x1E400] =	vst v63  }
0xe5: {  	s13 =	rddreg [dreg:$0x1c]  }
0xe6: {  	[tilespmem:s13], [sflag:$0x5] =	stream.indirect_vreg.gather [hbm4b:s6+s3], $0x80, v3, vm0, $0xb8;
	[tilespmem:$0x1E400] =	vst v63  }
0xe7: {  	v3 =	vld [tilespmem:s4+$0x210];
	_ =	sdelay $0x4  }
0xe8: {  	v57 =	vshrl.u32 v3, $0x3  }
0xe9: {  	v4 =	vmul.u32 $0x30, v57  }
0xea: {  	v3 =	vand.u32 $0x7, v3  }
0xeb: {  	v3 =	vor.u32 v3, v4  }
0xec: {  	v4 =	vperm.xlane v3, v0;
	_ =	sdelay $0x1  }
0xed: {  	v4 =	vadd.s32 v1, v4;
	_ =	sdelay $0x2  }
0xee: {  	s14 =	rddreg [dreg:$0x1e]  }
0xef: {  	s13 =	rddreg [dreg:$0x1d];
	v3 =	vperm.xlane v3, v2  }
0xf0: {  	[tilespmem:s13], [sflag:$0x5] =	stream.indirect_vreg.gather [hbm4b:s2+s3], $0x80, v4, vm0, $0xb8;
	[tilespmem:$0x1E400] =	vst v63  }
0xf1: {  	v3 =	vadd.s32 v1, v3;
	s13 =	rddreg [dreg:$0x1f]  }
0xf2: {  	[tilespmem:s14], [sflag:$0x5] =	stream.indirect_vreg.gather [hbm4b:s5+s3], $0x80, v4, vm0, $0xb8;
	[tilespmem:$0x1E400] =	vst v63  }
0xf3: {  	s14 =	sld [smem:$0x7FB]  }
0xf4: {  	[tilespmem:s13], [sflag:$0x5] =	stream.indirect_vreg.gather [hbm4b:s6+s3], $0x80, v4, vm0, $0xb8;
	[tilespmem:$0x1E400] =	vst v63  }
0xf5: {  	s13 =	sld [smem:$0x7FC]  }
0xf6: {  	[tilespmem:s14], [sflag:$0x5] =	stream.indirect_vreg.gather [hbm4b:s2+s3], $0x80, v3, vm0, $0xb8;
	[tilespmem:$0x1E400] =	vst v63  }
0xf7: {  	s14 =	sld [smem:$0x7FD]  }
0xf8: {  	[tilespmem:s13], [sflag:$0x5] =	stream.indirect_vreg.gather [hbm4b:s5+s3], $0x80, v3, vm0, $0xb8;
	[tilespmem:$0x1E400] =	vst v63  }
0xf9: {  	_ = 	snop  }
0xfa: {  	[tilespmem:s14], [sflag:$0x5] =	stream.indirect_vreg.gather [hbm4b:s6+s3], $0x80, v3, vm0, $0xb8;
	[tilespmem:$0x1E400] =	vst v63  }
0xfb: {  	_ =	swait.ge [sflag:s28], $0x3000  }
0xfc: {  	[sflag:s28] =	ssyncset.done $0x0  }
0xfd: {  	[sflag:s28] =	ssyncadd.s32 $0xFFFFD000  }
0xfe: {  	_ =	swait.ge [sflag:s28], $0x3000  }
0xff: {  	[sflag:s28] =	ssyncset.done $0x0  }
0x100: {  	s14 =	rddreg [dreg:$0x7];
	[sflag:s28] =	ssyncadd.s32 $0xFFFFD000  }
0x101: {  	[hbm4b:s14+s3] =	stream.linear.scatter [tilespmem:s29], [sflag:$0x8], $0x6000, $0x38;
	[tilespmem:$0x1E400] =	vst v63  }
0x102: {  	_ =	swait.ge [sflag:s11], $0x6000  }
0x103: {  	[sflag:s11] =	ssyncset.done $0x0  }
0x104: {  	[sflag:s11] =	ssyncadd.s32 $0xFFFFA000  }
0x105: {  	v3 =	vld [tilespmem:s4+$0x220];
	_ =	sdelay $0x4  }
0x106: {  	v58 =	vshrl.u32 v3, $0x3  }
0x107: {  	v4 =	vmul.u32 $0x30, v58  }
0x108: {  	v3 =	vand.u32 $0x7, v3  }
0x109: {  	v3 =	vor.u32 v3, v4  }
0x10a: {  	v4 =	vperm.xlane v3, v0;
	_ =	sdelay $0x1  }
0x10b: {  	v4 =	vadd.s32 v1, v4;
	_ =	sdelay $0x3  }
0x10c: {  	v3 =	vperm.xlane v3, v2  }
0x10d: {  	[tilespmem:s21], [sflag:$0x1] =	stream.indirect_vreg.gather [hbm4b:s2+s3], $0x80, v4, vm0, $0xb8;
	[tilespmem:$0x1E400] =	vst v63  }
0x10e: {  	v3 =	vadd.s32 v1, v3  }
0x10f: {  	[tilespmem:s15], [sflag:$0x1] =	stream.indirect_vreg.gather [hbm4b:s5+s3], $0x80, v4, vm0, $0xb8;
	[tilespmem:$0x1E400] =	vst v63  }
0x110: {  	_ = 	snop  }
0x111: {  	[tilespmem:s16], [sflag:$0x1] =	stream.indirect_vreg.gather [hbm4b:s6+s3], $0x80, v4, vm0, $0xb8;
	[tilespmem:$0x1E400] =	vst v63  }
0x112: {  	_ = 	snop  }
0x113: {  	[tilespmem:s17], [sflag:$0x1] =	stream.indirect_vreg.gather [hbm4b:s2+s3], $0x80, v3, vm0, $0xb8;
	[tilespmem:$0x1E400] =	vst v63  }
0x114: {  	_ = 	snop  }
0x115: {  	[tilespmem:s18], [sflag:$0x1] =	stream.indirect_vreg.gather [hbm4b:s5+s3], $0x80, v3, vm0, $0xb8;
	[tilespmem:$0x1E400] =	vst v63  }
0x116: {  	_ = 	snop  }
0x117: {  	[tilespmem:s19], [sflag:$0x1] =	stream.indirect_vreg.gather [hbm4b:s6+s3], $0x80, v3, vm0, $0xb8;
	[tilespmem:$0x1E400] =	vst v63  }
0x118: {  	v3 =	vld [tilespmem:s4+$0x230];
	_ =	sdelay $0x4  }
0x119: {  	v59 =	vshrl.u32 v3, $0x3  }
0x11a: {  	v4 =	vmul.u32 $0x30, v59  }
0x11b: {  	v3 =	vand.u32 $0x7, v3  }
0x11c: {  	v3 =	vor.u32 v3, v4  }
0x11d: {  	v4 =	vperm.xlane v3, v0;
	_ =	sdelay $0x1  }
0x11e: {  	v4 =	vadd.s32 v1, v4;
	_ =	sdelay $0x3  }
0x11f: {  	v3 =	vperm.xlane v3, v2  }
0x120: {  	[tilespmem:s20], [sflag:$0x1] =	stream.indirect_vreg.gather [hbm4b:s2+s3], $0x80, v4, vm0, $0xb8;
	[tilespmem:$0x1E400] =	vst v63  }
0x121: {  	v3 =	vadd.s32 v1, v3  }
0x122: {  	[tilespmem:s22], [sflag:$0x1] =	stream.indirect_vreg.gather [hbm4b:s5+s3], $0x80, v4, vm0, $0xb8;
	[tilespmem:$0x1E400] =	vst v63  }
0x123: {  	_ = 	snop  }
0x124: {  	[tilespmem:s24], [sflag:$0x1] =	stream.indirect_vreg.gather [hbm4b:s6+s3], $0x80, v4, vm0, $0xb8;
	[tilespmem:$0x1E400] =	vst v63  }
0x125: {  	_ = 	snop  }
0x126: {  	[tilespmem:s26], [sflag:$0x1] =	stream.indirect_vreg.gather [hbm4b:s2+s3], $0x80, v3, vm0, $0xb8;
	[tilespmem:$0x1E400] =	vst v63  }
0x127: {  	_ = 	snop  }
0x128: {  	[tilespmem:s8], [sflag:$0x1] =	stream.indirect_vreg.gather [hbm4b:s5+s3], $0x80, v3, vm0, $0xb8;
	[tilespmem:$0x1E400] =	vst v63  }
0x129: {  	s14 =	simm.s32 $0x5C00  }
0x12a: {  	[tilespmem:s14], [sflag:$0x1] =	stream.indirect_vreg.gather [hbm4b:s6+s3], $0x80, v3, vm0, $0xb8;
	[tilespmem:$0x1E400] =	vst v63  }
0x12b: {  	_ =	swait.ge [sflag:s30], $0x3000  }
0x12c: {  	[sflag:s30] =	ssyncset.done $0x0  }
0x12d: {  	[sflag:s30] =	ssyncadd.s32 $0xFFFFD000  }
0x12e: {  	_ =	swait.ge [sflag:s30], $0x3000  }
0x12f: {  	[sflag:s30] =	ssyncset.done $0x0  }
0x130: {  	s8 =	rddreg [dreg:$0x8];
	[sflag:s30] =	ssyncadd.s32 $0xFFFFD000  }
0x131: {  	[hbm4b:s8+s3] =	stream.linear.scatter [tilespmem:s9], [sflag:$0x9], $0x6000, $0x38;
	[tilespmem:$0x1E400] =	vst v63  }
0x132: {  	_ =	swait.ge [sflag:s31], $0x6000  }
0x133: {  	[sflag:s31] =	ssyncset.done $0x0  }
0x134: {  	[sflag:s31] =	ssyncadd.s32 $0xFFFFA000  }
0x135: {  	v3 =	vld [tilespmem:s4+$0x240];
	_ =	sdelay $0x4  }
0x136: {  	v60 =	vshrl.u32 v3, $0x3  }
0x137: {  	v4 =	vmul.u32 $0x30, v60  }
0x138: {  	v3 =	vand.u32 $0x7, v3  }
0x139: {  	v3 =	vor.u32 v3, v4  }
0x13a: {  	v4 =	vperm.xlane v3, v0;
	_ =	sdelay $0x1  }
0x13b: {  	v4 =	vadd.s32 v1, v4;
	_ =	sdelay $0x3  }
0x13c: {  	v3 =	vperm.xlane v3, v2  }
0x13d: {  	[tilespmem:s10], [sflag:$0x2] =	stream.indirect_vreg.gather [hbm4b:s2+s3], $0x80, v4, vm0, $0xb8;
	[tilespmem:$0x1E400] =	vst v63  }
0x13e: {  	s13 =	simm.s32 $0x6C00;
	v3 =	vadd.s32 v1, v3  }
0x13f: {  	[tilespmem:s13], [sflag:$0x2] =	stream.indirect_vreg.gather [hbm4b:s5+s3], $0x80, v4, vm0, $0xb8;
	[tilespmem:$0x1E400] =	vst v63  }
0x140: {  	s14 =	simm.s32 $0x7400  }
0x141: {  	[tilespmem:s14], [sflag:$0x2] =	stream.indirect_vreg.gather [hbm4b:s6+s3], $0x80, v4, vm0, $0xb8;
	[tilespmem:$0x1E400] =	vst v63  }
0x142: {  	s9 =	simm.s32 $0x7C00  }
0x143: {  	[tilespmem:s9], [sflag:$0x2] =	stream.indirect_vreg.gather [hbm4b:s2+s3], $0x80, v3, vm0, $0xb8;
	[tilespmem:$0x1E400] =	vst v63  }
0x144: {  	s13 =	simm.s32 $0x8400  }
0x145: {  	[tilespmem:s13], [sflag:$0x2] =	stream.indirect_vreg.gather [hbm4b:s5+s3], $0x80, v3, vm0, $0xb8;
	[tilespmem:$0x1E400] =	vst v63  }
0x146: {  	s14 =	simm.s32 $0x8C00  }
0x147: {  	[tilespmem:s14], [sflag:$0x2] =	stream.indirect_vreg.gather [hbm4b:s6+s3], $0x80, v3, vm0, $0xb8;
	[tilespmem:$0x1E400] =	vst v63  }
0x148: {  	v3 =	vld [tilespmem:s4+$0x250];
	_ =	sdelay $0x4  }
0x149: {  	v61 =	vshrl.u32 v3, $0x3  }
0x14a: {  	v4 =	vmul.u32 $0x30, v61  }
0x14b: {  	v3 =	vand.u32 $0x7, v3  }
0x14c: {  	v3 =	vor.u32 v3, v4  }
0x14d: {  	v4 =	vperm.xlane v3, v0;
	_ =	sdelay $0x1  }
0x14e: {  	v4 =	vadd.s32 v1, v4;
	_ =	sdelay $0x3  }
0x14f: {  	s9 =	simm.s32 $0x9400;
	v3 =	vperm.xlane v3, v2  }
0x150: {  	[tilespmem:s9], [sflag:$0x2] =	stream.indirect_vreg.gather [hbm4b:s2+s3], $0x80, v4, vm0, $0xb8;
	[tilespmem:$0x1E400] =	vst v63  }
0x151: {  	s13 =	simm.s32 $0x9C00;
	v3 =	vadd.s32 v1, v3  }
0x152: {  	[tilespmem:s13], [sflag:$0x2] =	stream.indirect_vreg.gather [hbm4b:s5+s3], $0x80, v4, vm0, $0xb8;
	[tilespmem:$0x1E400] =	vst v63  }
0x153: {  	s14 =	simm.s32 $0xA400  }
0x154: {  	[tilespmem:s14], [sflag:$0x2] =	stream.indirect_vreg.gather [hbm4b:s6+s3], $0x80, v4, vm0, $0xb8;
	[tilespmem:$0x1E400] =	vst v63  }
0x155: {  	s9 =	simm.s32 $0xAC00  }
0x156: {  	[tilespmem:s9], [sflag:$0x2] =	stream.indirect_vreg.gather [hbm4b:s2+s3], $0x80, v3, vm0, $0xb8;
	[tilespmem:$0x1E400] =	vst v63  }
0x157: {  	s13 =	simm.s32 $0xB400  }
0x158: {  	[tilespmem:s13], [sflag:$0x2] =	stream.indirect_vreg.gather [hbm4b:s5+s3], $0x80, v3, vm0, $0xb8;
	[tilespmem:$0x1E400] =	vst v63  }
0x159: {  	s14 =	simm.s32 $0xBC00  }
0x15a: {  	[tilespmem:s14], [sflag:$0x2] =	stream.indirect_vreg.gather [hbm4b:s6+s3], $0x80, v3, vm0, $0xb8;
	[tilespmem:$0x1E400] =	vst v63  }
0x15b: {  	_ =	swait.ge [sflag:s1], $0x3000  }
0x15c: {  	[sflag:s1] =	ssyncset.done $0x0  }
0x15d: {  	[sflag:s1] =	ssyncadd.s32 $0xFFFFD000  }
0x15e: {  	_ =	swait.ge [sflag:s1], $0x3000  }
0x15f: {  	[sflag:s1] =	ssyncset.done $0x0  }
0x160: {  	s8 =	rddreg [dreg:$0x9];
	[sflag:s1] =	ssyncadd.s32 $0xFFFFD000  }
0x161: {  	[hbm4b:s8+s3] =	stream.linear.scatter [tilespmem:s12], [sflag:$0xA], $0x6000, $0x38;
	[tilespmem:$0x1E400] =	vst v63  }
0x162: {  	_ =	swait.ge [sflag:s0], $0x6000  }
0x163: {  	[sflag:s0] =	ssyncset.done $0x0  }
0x164: {  	[sflag:s0] =	ssyncadd.s32 $0xFFFFA000  }
0x165: {  	v3 =	vld [tilespmem:s4+$0x260];
	_ =	sdelay $0x4  }
0x166: {  	v62 =	vshrl.u32 v3, $0x3  }
0x167: {  	v4 =	vmul.u32 $0x30, v62  }
0x168: {  	v3 =	vand.u32 $0x7, v3  }
0x169: {  	v3 =	vor.u32 v3, v4  }
0x16a: {  	v4 =	vperm.xlane v3, v0;
	_ =	sdelay $0x1  }
0x16b: {  	v4 =	vadd.s32 v1, v4;
	_ =	sdelay $0x3  }
0x16c: {  	v3 =	vperm.xlane v3, v2  }
0x16d: {  	[tilespmem:s29], [sflag:$0x3] =	stream.indirect_vreg.gather [hbm4b:s2+s3], $0x80, v4, vm0, $0xb8;
	[tilespmem:$0x1E400] =	vst v63  }
0x16e: {  	s9 =	simm.s32 $0xCC00;
	v3 =	vadd.s32 v1, v3  }
0x16f: {  	[tilespmem:s9], [sflag:$0x3] =	stream.indirect_vreg.gather [hbm4b:s5+s3], $0x80, v4, vm0, $0xb8;
	[tilespmem:$0x1E400] =	vst v63  }
0x170: {  	s13 =	simm.s32 $0xD400  }
0x171: {  	[tilespmem:s13], [sflag:$0x3] =	stream.indirect_vreg.gather [hbm4b:s6+s3], $0x80, v4, vm0, $0xb8;
	[tilespmem:$0x1E400] =	vst v63  }
0x172: {  	s14 =	simm.s32 $0xDC00  }
0x173: {  	[tilespmem:s14], [sflag:$0x3] =	stream.indirect_vreg.gather [hbm4b:s2+s3], $0x80, v3, vm0, $0xb8;
	[tilespmem:$0x1E400] =	vst v63  }
0x174: {  	s9 =	simm.s32 $0xE400  }
0x175: {  	[tilespmem:s9], [sflag:$0x3] =	stream.indirect_vreg.gather [hbm4b:s5+s3], $0x80, v3, vm0, $0xb8;
	[tilespmem:$0x1E400] =	vst v63  }
0x176: {  	s13 =	simm.s32 $0xEC00  }
0x177: {  	[tilespmem:s13], [sflag:$0x3] =	stream.indirect_vreg.gather [hbm4b:s6+s3], $0x80, v3, vm0, $0xb8;
	[tilespmem:$0x1E400] =	vst v63  }
0x178: {  	v3 =	vld [tilespmem:s4+$0x270];
	_ =	sdelay $0x4  }
0x179: {  	v63 =	vshrl.u32 v3, $0x3  }
0x17a: {  	v4 =	vmul.u32 $0x30, v63  }
0x17b: {  	v3 =	vand.u32 $0x7, v3  }
0x17c: {  	v3 =	vor.u32 v3, v4  }
0x17d: {  	v4 =	vperm.xlane v3, v0;
	_ =	sdelay $0x1  }
0x17e: {  	v4 =	vadd.s32 v1, v4;
	_ =	sdelay $0x3  }
0x17f: {  	s14 =	simm.s32 $0xF400;
	v3 =	vperm.xlane v3, v2  }
0x180: {  	[tilespmem:s14], [sflag:$0x3] =	stream.indirect_vreg.gather [hbm4b:s2+s3], $0x80, v4, vm0, $0xb8;
	[tilespmem:$0x1E400] =	vst v63  }
0x181: {  	s9 =	simm.s32 $0xFC00;
	v3 =	vadd.s32 v1, v3  }
0x182: {  	[tilespmem:s9], [sflag:$0x3] =	stream.indirect_vreg.gather [hbm4b:s5+s3], $0x80, v4, vm0, $0xb8;
	[tilespmem:$0x1E400] =	vst v63  }
0x183: {  	s13 =	simm.s32 $0x10400  }
0x184: {  	[tilespmem:s13], [sflag:$0x3] =	stream.indirect_vreg.gather [hbm4b:s6+s3], $0x80, v4, vm0, $0xb8;
	[tilespmem:$0x1E400] =	vst v63  }
0x185: {  	s14 =	simm.s32 $0x10C00  }
0x186: {  	[tilespmem:s14], [sflag:$0x3] =	stream.indirect_vreg.gather [hbm4b:s2+s3], $0x80, v3, vm0, $0xb8;
	[tilespmem:$0x1E400] =	vst v63  }
0x187: {  	s9 =	simm.s32 $0x11400  }
0x188: {  	[tilespmem:s9], [sflag:$0x3] =	stream.indirect_vreg.gather [hbm4b:s5+s3], $0x80, v3, vm0, $0xb8;
	[tilespmem:$0x1E400] =	vst v63  }
0x189: {  	s13 =	simm.s32 $0x11C00  }
0x18a: {  	[tilespmem:s13], [sflag:$0x3] =	stream.indirect_vreg.gather [hbm4b:s6+s3], $0x80, v3, vm0, $0xb8;
	[tilespmem:$0x1E400] =	vst v63  }
0x18b: {  	_ =	swait.ge [sflag:s23], $0x3000  }
0x18c: {  	[sflag:s23] =	ssyncset.done $0x0  }
0x18d: {  	[sflag:s23] =	ssyncadd.s32 $0xFFFFD000  }
0x18e: {  	_ =	swait.ge [sflag:s23], $0x3000  }
0x18f: {  	[sflag:s23] =	ssyncset.done $0x0  }
0x190: {  	s14 =	rddreg [dreg:$0xa];
	[sflag:s23] =	ssyncadd.s32 $0xFFFFD000  }
0x191: {  	[hbm4b:s14+s3] =	stream.linear.scatter [tilespmem:s21], [sflag:$0x6], $0x6000, $0x38;
	[tilespmem:$0x1E400] =	vst v63  }
0x192: {  	_ =	swait.ge [sflag:s25], $0x3000  }
0x193: {  	[sflag:s25] =	ssyncset.done $0x0  }
0x194: {  	[sflag:s25] =	ssyncadd.s32 $0xFFFFD000  }
0x195: {  	_ =	swait.ge [sflag:s25], $0x3000  }
0x196: {  	[sflag:s25] =	ssyncset.done $0x0  }
0x197: {  	s8 =	rddreg [dreg:$0xb];
	[sflag:s25] =	ssyncadd.s32 $0xFFFFD000  }
0x198: {  	[hbm4b:s8+s3] =	stream.linear.scatter [tilespmem:s10], [sflag:$0x7], $0x6000, $0x38;
	[tilespmem:$0x1E400] =	vst v63  }
0x199: {  	_ =	swait.ge [sflag:s28], $0x3000  }
0x19a: {  	[sflag:s28] =	ssyncset.done $0x0  }
0x19b: {  	[sflag:s28] =	ssyncadd.s32 $0xFFFFD000  }
0x19c: {  	_ =	swait.ge [sflag:s28], $0x3000  }
0x19d: {  	[sflag:s28] =	ssyncset.done $0x0  }
0x19e: {  	s13 =	simm.s32 $0x9;
	s9 =	rddreg [dreg:$0xc];
	[sflag:s28] =	ssyncadd.s32 $0xFFFFD000  }
0x19f: {  	[hbm4b:s9+s3] =	stream.linear.scatter [tilespmem:s29], [sflag:$0x8], $0x6000, $0x38;
	[tilespmem:$0x1E400] =	vst v63  }
0x1a0: {  	_ =	swait.ge [sflag:s13], $0x6000  }
0x1a1: {  	[sflag:s13] =	ssyncset.done $0x0  }
0x1a2: {  	s14 =	simm.s32 $0xA;
	[sflag:s13] =	ssyncadd.s32 $0xFFFFA000  }
0x1a3: {  	_ =	swait.ge [sflag:s14], $0x6000  }
0x1a4: {  	[sflag:s14] =	ssyncset.done $0x0  }
0x1a5: {  	[sflag:s14] =	ssyncadd.s32 $0xFFFFA000  }
0x1a6: {  	_ =	swait.ge [sflag:s11], $0x6000  }
0x1a7: {  	[sflag:s11] =	ssyncset.done $0x0  }
0x1a8: {  	[sflag:s11] =	ssyncadd.s32 $0xFFFFA000  }
0x1a9: {  	p0 =	sne.s32 s7, $0x1;
	_ =	swait.ge [sflag:s31], $0x6000  }
.Ltmp0:
0x1aa: {  	[sflag:s31] =	ssyncset.done $0x0;
	(pc) =	sbr.rel @p0 .LBB2_1-.Ltmp0, $4  }
0x1ab: {  	[sflag:s31] =	ssyncadd.s32 $0xFFFFA000  }
0x1ac: {  	_ =	swait.ge [sflag:s0], $0x6000  }
0x1ad: {  	[sflag:s0] =	ssyncset.done $0x0  }
0x1ae: {  	s7 =	sadd.s32 $0xFFFFFFFF, s7;
	[sflag:s0] =	ssyncadd.s32 $0xFFFFA000  }
0x1af: {  	_ =	sfence.sel $0x180000  }
0x1b0: {  	[bflag:$0x0] =	sbarrier.arrive $0xFFFF  }
0x1b1: {  	_ =	strace $0x90000047  }
0x1b2: {  	s0 =	stileid.u32;
	[bflag:$0x2] =	sbarrier.arrive $0xFFFF  }
0x1b3: {  	p0 =	sne.s32 s0, $0x0;
	s0 =	rddreg [dreg:$0x3]  }
0x1b4: {  	s0 =	sadd.s32 @!p0 $0x100000, s0  }
0x1b5: {  	[sflag:s0] =	ssyncadd.tile.s32 @!p0 $0x1;
	_ =	shalt  }
.Lfunc_end2:
_tile_overlayer_lowered:
.L_overlay_start_2:
0x1b6: {  	(tag) =	ssettag $0x2  }
0x1b7: {  	s0 =	rddreg [dreg:$0x0];
	s2 =	stileid.u32  }
0x1b8: {  	s1 =	rddreg [dreg:$0x1];
	p0 =	sne.s32 s2, $0x0  }
0x1b9: {  	s3 =	rddreg [dreg:$0x2];
	[bflag:$0x3] =	sbarrier.arrive $0xFFFF;
	s2 =	simm.s32 @!p0 $0x1C0B  }
0x1ba: {  	[timem:s3], [sflag:s2] =	dma.local @!p0 [hbm:s0], s1  }
0x1bb: {  	s0 =	simm.s32 @!p0 $0xB  }
0x1bc: {  	_ =	swait.ge @!p0 [sflag:s0], s1  }
0x1bd: {  	s1 =	ssub.s32 @!p0 $0x0, s1;
	[sflag:s0] =	ssyncset.done @!p0 $0x0  }
0x1be: {  	[sflag:s0] =	ssyncadd.s32 @!p0 s1  }
0x1bf: {  	[bflag:$0x3] =	sbarrier.arrive $0xFFFF  }
0x1c0: {  	_ =	shalt  }

</sc_bundles>
